<compile_context>
chip_gen: v7x
topology: tpu7x:2x2x1
jax: 0.10.2.dev20260603
libtpu: 0.0.44.dev20260713+nightly
codegen_flags: <defaults>
</compile_context>

<pallas_src>
import functools

import jax
import jax.numpy as jnp
from jax import lax
from jax.experimental import pallas as pl
from jax.experimental.pallas import tpu as pltpu
from jax.experimental.pallas import tpu_sc as plsc

TOTAL = 1000000
NUM_EMB = TOTAL - 2
PAD = NUM_EMB - 1
START = NUM_EMB
DIM = 32
BATCH = 4096
HIST = 200

NC, NS, L = 2, 16, 16
NW = NC * NS
BB = BATCH // NW
HC = 8
NCHUNK = HIST // HC
CHUNK = BB * HC
NBG = BB // L
NGRP = CHUNK // L


def _body(idx_hbm, table_hbm, be_hbm, out_hbm,
          ir_v, is_v, rows_v, tv_v, be_v, gsem, osem):
    c = lax.axis_index("c")
    s = lax.axis_index("s")
    wid = s * NC + c
    b0 = wid * BB

    pltpu.sync_copy(be_hbm, be_v)
    lane = lax.iota(jnp.int32, L)

    def out_copy(ci):
        return pltpu.make_async_copy(
            tv_v.at[:, :, pl.ds(0, BB)],
            out_hbm.at[pl.ds(ci * HC, HC), :, pl.ds(b0, BB)], osem)

    def pass1():
        @plsc.parallel_loop(0, NGRP, unroll=8,
                            carry=jnp.zeros((L,), jnp.int32))
        def grp(g, mx):
            jv = g * L + lane
            v = plsc.load_gather(ir_v, [jv >> 3, jv & (HC - 1)])
            is_v[pl.ds(g * L, L)] = jnp.minimum(v, PAD)
            return jnp.maximum(mx, v)

        return grp

    def fixup(mx):
        has_special = plsc.all_reduce_population_count(mx >= START)[0] > 0

        @pl.when(has_special)
        def _fix():
            def grp_body(g, carry):
                jv = g * L + lane
                v = plsc.load_gather(ir_v, [jv >> 3, jv & (HC - 1)])
                mask = v >= START
                g_has = plsc.all_reduce_population_count(mask)[0] > 0

                @pl.when(g_has)
                def _overwrite():
                    sel = jnp.clip(v - START, 0, 1)
                    for col in range(DIM):
                        colv = jnp.full((L,), col, jnp.int32)
                        repl = plsc.load_gather(be_v, [sel, colv], mask=mask)
                        plsc.store_scatter(rows_v, [jv, colv], repl,
                                           mask=mask)
                return carry

            lax.fori_loop(0, NGRP, grp_body, 0)

    def chunk_body(ci, carry):
        pltpu.sync_copy(idx_hbm.at[pl.ds(b0, BB), pl.ds(ci * HC, HC)], ir_v)
        mx = pass1()
        gathers = [
            pltpu.async_copy(
                table_hbm.at[is_v.at[pl.ds(bg * (L * HC), L * HC)]],
                rows_v.at[pl.ds(bg * (L * HC), L * HC)], gsem)
            for bg in range(NBG)
        ]
        for cp in gathers:
            cp.wait()
        fixup(mx)

        @pl.when(ci > 0)
        def _drain():
            out_copy(ci).wait()

        @plsc.parallel_loop(0, CHUNK, unroll=16)
        def _tr(j):
            b = j >> 3
            h = j & (HC - 1)
            jvec = jnp.full((L,), j, jnp.int32)
            hvec = jnp.full((L,), h, jnp.int32)
            bvec = jnp.full((L,), b, jnp.int32)
            v0 = plsc.load_gather(rows_v, [jvec, lane])
            v1 = plsc.load_gather(rows_v, [jvec, L + lane])
            plsc.store_scatter(tv_v, [hvec, lane, bvec], v0)
            plsc.store_scatter(tv_v, [hvec, L + lane, bvec], v1)

        out_copy(ci).start()
        return carry

    lax.fori_loop(0, NCHUNK, chunk_body, 0)
    out_copy(NCHUNK - 1).wait()


@jax.jit
def _run(idxes, table, beg_end):
    f = functools.partial(
        pl.kernel,
        mesh=plsc.VectorSubcoreMesh(core_axis_name="c", subcore_axis_name="s"),
        out_type=jax.ShapeDtypeStruct((HIST, DIM, BATCH), jnp.float32),
        scratch_types=[
            pltpu.VMEM((BB, HC), jnp.int32),
            pltpu.VMEM((CHUNK,), jnp.int32),
            pltpu.VMEM((CHUNK, DIM), jnp.float32),
            pltpu.VMEM((HC, DIM, BB + 1), jnp.float32),
            pltpu.VMEM((2, DIM), jnp.float32),
            pltpu.SemaphoreType.DMA,
            pltpu.SemaphoreType.DMA,
        ],
        compiler_params=pltpu.CompilerParams(
            needs_layout_passes=False, use_tc_tiling_on_sc=False),
    )(_body)
    return f(idxes, table, beg_end)


def kernel(idxes, table, beg_end):
    return _run(idxes, table, beg_end).transpose(2, 0, 1)

# --- scband reference (transcript-rebuilt; emitter-appended) ---
"""Pipeline reference for scband-glove-limited-embedding-16389595201579 (READ-ONLY COPY).

The authoritative reference and input builder live on the scoring server;
editing this copy changes nothing except your own understanding.
"""

import jax, jax.numpy as jnp
import numpy as np

TOTAL = 1000000
NUM_EMB = TOTAL - 2          # nn.Embedding(total_embeddings - 2, dim)
PAD = NUM_EMB - 1            # padding_idx=-1 resolves to num_embeddings-1
START = NUM_EMB              # start_idx = embeddings.weight.shape[0]
END = NUM_EMB + 1            # end_idx = start_idx + 1
DIM = 32
BATCH = 4096
HIST = 200


def setup_inputs(seed: int = 0) -> dict:
    key = jax.random.key(seed)
    k1, k2, k3 = jax.random.split(key, 3)
    idxes = jax.random.randint(k1, (BATCH, HIST), 0, TOTAL, dtype=jnp.int32)
    table = jax.random.normal(k2, (NUM_EMB, DIM), dtype=jnp.float32)
    # nn.Embedding zeroes the padding row at init
    table = table.at[PAD].set(0.0)
    beg_end = jax.random.normal(k3, (2, DIM), dtype=jnp.float32)
    return {"idxes": idxes, "table": table, "beg_end": beg_end}


def reference(idxes, table, beg_end):
    start_mask = idxes == START
    end_mask = idxes == END
    # idxes[start|end] = padding_idx
    safe_idx = jnp.where(start_mask | end_mask, PAD, idxes)
    emb = jnp.take(table, safe_idx, axis=0)
    # overwrite start/end positions with learned beg/end embeddings
    emb = jnp.where(start_mask[..., None], beg_end[0], emb)
    emb = jnp.where(end_mask[..., None], beg_end[1], emb)
    return emb

if __name__ == "__main__":
    import jax
    _d = setup_inputs()
    print(jax.jit(kernel)(*tuple(_d.values())))

</pallas_src>

<mosaic_0001>
#map = affine_map<(d0, d1) -> (0, 0)>
#map1 = affine_map<(d0, d1) -> (0, 0, 0)>
module attributes {stable_mosaic.version = 14 : i64} {
  func.func @_body(%arg0: i32, %arg1: i32, %arg2: memref<4096x200xi32, #tpu.memory_space<hbm>>, %arg3: memref<999998x32xf32, #tpu.memory_space<hbm>>, %arg4: memref<2x32xf32, #tpu.memory_space<hbm>>, %arg5: memref<200x32x4096xf32, #tpu.memory_space<hbm>>, %arg6: memref<128x8xi32, #tpu.memory_space<vmem>>, %arg7: memref<1024xi32, #tpu.memory_space<vmem>>, %arg8: memref<1024x32xf32, #tpu.memory_space<vmem>>, %arg9: memref<8x32x129xf32, #tpu.memory_space<vmem>>, %arg10: memref<2x32xf32, #tpu.memory_space<vmem>>, %arg11: memref<!tpu.dma_semaphore, #tpu.memory_space<semaphore_mem>>, %arg12: memref<!tpu.dma_semaphore, #tpu.memory_space<semaphore_mem>>) attributes {dimension_semantics = [#tpu.dimension_semantics<core_parallel>, #tpu.dimension_semantics<subcore_parallel>], iteration_bounds = array<i64: 2, 16>, scalar_prefetch = 0 : i64, scratch_operands = 7 : i64, tpu.core_type = #tpu.core_type<sc_vector_subcore>, window_params = [{transform_indices = #map}, {transform_indices = #map}, {transform_indices = #map}, {transform_indices = #map1}]} {
    %mul3A = arith.constant 2 : i32
    %mul3A_0 = arith.muli %arg1, %mul3A : i32
    %add3A = arith.addi %mul3A_0, %arg0 : i32
    %mul3A_1 = arith.constant 128 : i32
    %mul3A_2 = arith.muli %add3A, %mul3A_1 : i32
    "tpu.region"() ({
      %run_scoped3A = tpu.sem_alloc : memref<!tpu.dma_semaphore, #tpu.memory_space<semaphore_mem>>
      tpu.enqueue_dma source(%arg4 : memref<2x32xf32, #tpu.memory_space<hbm>>) target(%arg10 : memref<2x32xf32, #tpu.memory_space<vmem>>) target_semaphore(%run_scoped3A : memref<!tpu.dma_semaphore, #tpu.memory_space<semaphore_mem>>)
      tpu.wait_dma2 semaphore(%run_scoped3A : memref<!tpu.dma_semaphore, #tpu.memory_space<semaphore_mem>>) src(%arg4 : memref<2x32xf32, #tpu.memory_space<hbm>>) dst(%arg10 : memref<2x32xf32, #tpu.memory_space<vmem>>)
      tpu.yield
    }) : () -> ()
    %iota3A = tpu.iota {dimensions = array<i32: 0>} : vector<16xi32>
    %scan3A = arith.constant 0 : i32
    %scan3A_3 = arith.constant 0 : i32
    %scan3A_4 = arith.constant 25 : i32
    %scan3A_5 = arith.addi %scan3A_3, %scan3A_4 : i32
    %scan3A_6 = arith.constant 1 : i32
    scf.for %scan3A_21 = %scan3A_3 to %scan3A_5 step %scan3A_6  : i32 {
      %mul3A_22 = arith.constant 8 : i32
      %mul3A_23 = arith.muli %scan3A_21, %mul3A_22 : i32
      "tpu.region"() ({
        %run_scoped3A = tpu.sem_alloc : memref<!tpu.dma_semaphore, #tpu.memory_space<semaphore_mem>>
        %dma_start3A_181 = tpu.memref_slice %arg2[%mul3A_2, %mul3A_23] : memref<4096x200xi32, #tpu.memory_space<hbm>> -> memref<128x8xi32, #tpu.memory_space<hbm>>
        %dma_start3A_182 = tpu.memref_slice %arg2[%mul3A_2, %mul3A_23] : memref<4096x200xi32, #tpu.memory_space<hbm>> -> memref<128x8xi32, #tpu.memory_space<hbm>>
        tpu.enqueue_dma source(%dma_start3A_182 : memref<128x8xi32, #tpu.memory_space<hbm>>) target(%arg6 : memref<128x8xi32, #tpu.memory_space<vmem>>) target_semaphore(%run_scoped3A : memref<!tpu.dma_semaphore, #tpu.memory_space<semaphore_mem>>)
        %dma_wait3A_183 = tpu.memref_slice %arg2[%mul3A_2, %mul3A_23] : memref<4096x200xi32, #tpu.memory_space<hbm>> -> memref<128x8xi32, #tpu.memory_space<hbm>>
        %dma_wait3A_184 = tpu.memref_slice %arg2[%mul3A_2, %mul3A_23] : memref<4096x200xi32, #tpu.memory_space<hbm>> -> memref<128x8xi32, #tpu.memory_space<hbm>>
        tpu.wait_dma2 semaphore(%run_scoped3A : memref<!tpu.dma_semaphore, #tpu.memory_space<semaphore_mem>>) src(%dma_wait3A_184 : memref<128x8xi32, #tpu.memory_space<hbm>>) dst(%arg6 : memref<128x8xi32, #tpu.memory_space<vmem>>)
        tpu.yield
      }) : () -> ()
      %broadcast_in_dim3A = arith.constant 0 : i32
      %broadcast_in_dim3A_24 = vector.broadcast %broadcast_in_dim3A : i32 to vector<16xi32>
      %parallel_loop3A = arith.constant 0 : i32
      %parallel_loop3A_25 = arith.constant 64 : i32
      %parallel_loop3A_26 = arith.constant 1 : i32
      %parallel_loop3A_27 = scf.for %parallel_loop3A_181 = %parallel_loop3A to %parallel_loop3A_25 step %parallel_loop3A_26 iter_args(%parallel_loop3A_182 = %broadcast_in_dim3A_24) -> (vector<16xi32>)  : i32 {
        %parallel_loop3A_183 = arith.constant 16 : i32
        %parallel_loop3A_184 = arith.muli %parallel_loop3A_181, %parallel_loop3A_183 : i32
        %parallel_loop3A_185 = vector.broadcast %parallel_loop3A_184 : i32 to vector<16xi32>
        %parallel_loop3A_186 = arith.addi %parallel_loop3A_185, %iota3A : vector<16xi32>
        %parallel_loop3A_187 = arith.constant 3 : i32
        %parallel_loop3A_188 = vector.broadcast %parallel_loop3A_187 : i32 to vector<16xi32>
        %parallel_loop3A_189 = arith.shrsi %parallel_loop3A_186, %parallel_loop3A_188 : vector<16xi32>
        %parallel_loop3A_190 = arith.constant 7 : i32
        %parallel_loop3A_191 = vector.broadcast %parallel_loop3A_190 : i32 to vector<16xi32>
        %parallel_loop3A_192 = arith.andi %parallel_loop3A_186, %parallel_loop3A_191 : vector<16xi32>
        %parallel_loop3A_193 = tpu.vector_load_idx %arg6[%parallel_loop3A_189, %parallel_loop3A_192] : memref<128x8xi32, #tpu.memory_space<vmem>>[vector<16xi32>, vector<16xi32>], vector<16xi32>,
        %parallel_loop3A_194 = arith.constant 999997 : i32
        %parallel_loop3A_195 = vector.broadcast %parallel_loop3A_194 : i32 to vector<16xi32>
        %parallel_loop3A_196 = arith.minsi %parallel_loop3A_193, %parallel_loop3A_195 : vector<16xi32>
        %parallel_loop3A_197 = arith.constant 16 : i32
        %parallel_loop3A_198 = arith.muli %parallel_loop3A_181, %parallel_loop3A_197 : i32
        %parallel_loop3A_199 = arith.index_cast %parallel_loop3A_198 : i32 to index
        %parallel_loop3A_200 = tpu.vector_load %arg7[%parallel_loop3A_199] {strides = array<i32>} : memref<1024xi32, #tpu.memory_space<vmem>>, vector<16xi32>,
        tpu.vector_store %arg7[%parallel_loop3A_199], %parallel_loop3A_196 {strides = array<i32>} : memref<1024xi32, #tpu.memory_space<vmem>>, vector<16xi32>,
        %parallel_loop3A_201 = arith.maxsi %parallel_loop3A_182, %parallel_loop3A_193 : vector<16xi32>
        scf.yield %parallel_loop3A_201 : vector<16xi32>
      } {sc.loop_unroll_factor = 8 : i64, sc.parallel_access}
      %dma_start3A = arith.constant 0 : i32
      %dma_start3A_28 = arith.constant 0 : i32
      %dma_start3A_29 = tpu.memref_slice %arg8[%dma_start3A, %dma_start3A_28] : memref<1024x32xf32, #tpu.memory_space<vmem>> -> memref<128x32xf32, #tpu.memory_space<vmem>>
      %dma_start3A_30 = arith.constant 0 : i32
      %dma_start3A_31 = tpu.memref_slice %arg7[%dma_start3A_30] : memref<1024xi32, #tpu.memory_space<vmem>> -> memref<128xi32, #tpu.memory_space<vmem>>
      %dma_start3A_32 = arith.constant 0 : i32
      %dma_start3A_33 = arith.constant 0 : i32
      %dma_start3A_34 = tpu.memref_slice %arg3[%dma_start3A_32, %dma_start3A_33] : memref<999998x32xf32, #tpu.memory_space<hbm>> -> memref<999998x32xf32, #tpu.memory_space<hbm>>
      tpu.enqueue_indirect_dma source(%dma_start3A_34 : memref<999998x32xf32, #tpu.memory_space<hbm>>) target(%dma_start3A_29 : memref<128x32xf32, #tpu.memory_space<vmem>>) offsets(%dma_start3A_31 : memref<128xi32, #tpu.memory_space<vmem>>) semaphore(%arg11 : memref<!tpu.dma_semaphore, #tpu.memory_space<semaphore_mem>>)
      %dma_start3A_35 = arith.constant 128 : i32
      %dma_start3A_36 = arith.constant 0 : i32
      %dma_start3A_37 = tpu.memref_slice %arg8[%dma_start3A_35, %dma_start3A_36] : memref<1024x32xf32, #tpu.memory_space<vmem>> -> memref<128x32xf32, #tpu.memory_space<vmem>>
      %dma_start3A_38 = arith.constant 128 : i32
      %dma_start3A_39 = tpu.memref_slice %arg7[%dma_start3A_38] : memref<1024xi32, #tpu.memory_space<vmem>> -> memref<128xi32, #tpu.memory_space<vmem>>
      %dma_start3A_40 = arith.constant 0 : i32
      %dma_start3A_41 = arith.constant 0 : i32
      %dma_start3A_42 = tpu.memref_slice %arg3[%dma_start3A_40, %dma_start3A_41] : memref<999998x32xf32, #tpu.memory_space<hbm>> -> memref<999998x32xf32, #tpu.memory_space<hbm>>
      tpu.enqueue_indirect_dma source(%dma_start3A_42 : memref<999998x32xf32, #tpu.memory_space<hbm>>) target(%dma_start3A_37 : memref<128x32xf32, #tpu.memory_space<vmem>>) offsets(%dma_start3A_39 : memref<128xi32, #tpu.memory_space<vmem>>) semaphore(%arg11 : memref<!tpu.dma_semaphore, #tpu.memory_space<semaphore_mem>>)
      %dma_start3A_43 = arith.constant 256 : i32
      %dma_start3A_44 = arith.constant 0 : i32
      %dma_start3A_45 = tpu.memref_slice %arg8[%dma_start3A_43, %dma_start3A_44] : memref<1024x32xf32, #tpu.memory_space<vmem>> -> memref<128x32xf32, #tpu.memory_space<vmem>>
      %dma_start3A_46 = arith.constant 256 : i32
      %dma_start3A_47 = tpu.memref_slice %arg7[%dma_start3A_46] : memref<1024xi32, #tpu.memory_space<vmem>> -> memref<128xi32, #tpu.memory_space<vmem>>
      %dma_start3A_48 = arith.constant 0 : i32
      %dma_start3A_49 = arith.constant 0 : i32
      %dma_start3A_50 = tpu.memref_slice %arg3[%dma_start3A_48, %dma_start3A_49] : memref<999998x32xf32, #tpu.memory_space<hbm>> -> memref<999998x32xf32, #tpu.memory_space<hbm>>
      tpu.enqueue_indirect_dma source(%dma_start3A_50 : memref<999998x32xf32, #tpu.memory_space<hbm>>) target(%dma_start3A_45 : memref<128x32xf32, #tpu.memory_space<vmem>>) offsets(%dma_start3A_47 : memref<128xi32, #tpu.memory_space<vmem>>) semaphore(%arg11 : memref<!tpu.dma_semaphore, #tpu.memory_space<semaphore_mem>>)
      %dma_start3A_51 = arith.constant 384 : i32
      %dma_start3A_52 = arith.constant 0 : i32
      %dma_start3A_53 = tpu.memref_slice %arg8[%dma_start3A_51, %dma_start3A_52] : memref<1024x32xf32, #tpu.memory_space<vmem>> -> memref<128x32xf32, #tpu.memory_space<vmem>>
      %dma_start3A_54 = arith.constant 384 : i32
      %dma_start3A_55 = tpu.memref_slice %arg7[%dma_start3A_54] : memref<1024xi32, #tpu.memory_space<vmem>> -> memref<128xi32, #tpu.memory_space<vmem>>
      %dma_start3A_56 = arith.constant 0 : i32
      %dma_start3A_57 = arith.constant 0 : i32
      %dma_start3A_58 = tpu.memref_slice %arg3[%dma_start3A_56, %dma_start3A_57] : memref<999998x32xf32, #tpu.memory_space<hbm>> -> memref<999998x32xf32, #tpu.memory_space<hbm>>
      tpu.enqueue_indirect_dma source(%dma_start3A_58 : memref<999998x32xf32, #tpu.memory_space<hbm>>) target(%dma_start3A_53 : memref<128x32xf32, #tpu.memory_space<vmem>>) offsets(%dma_start3A_55 : memref<128xi32, #tpu.memory_space<vmem>>) semaphore(%arg11 : memref<!tpu.dma_semaphore, #tpu.memory_space<semaphore_mem>>)
      %dma_start3A_59 = arith.constant 512 : i32
      %dma_start3A_60 = arith.constant 0 : i32
      %dma_start3A_61 = tpu.memref_slice %arg8[%dma_start3A_59, %dma_start3A_60] : memref<1024x32xf32, #tpu.memory_space<vmem>> -> memref<128x32xf32, #tpu.memory_space<vmem>>
      %dma_start3A_62 = arith.constant 512 : i32
      %dma_start3A_63 = tpu.memref_slice %arg7[%dma_start3A_62] : memref<1024xi32, #tpu.memory_space<vmem>> -> memref<128xi32, #tpu.memory_space<vmem>>
      %dma_start3A_64 = arith.constant 0 : i32
      %dma_start3A_65 = arith.constant 0 : i32
      %dma_start3A_66 = tpu.memref_slice %arg3[%dma_start3A_64, %dma_start3A_65] : memref<999998x32xf32, #tpu.memory_space<hbm>> -> memref<999998x32xf32, #tpu.memory_space<hbm>>
      tpu.enqueue_indirect_dma source(%dma_start3A_66 : memref<999998x32xf32, #tpu.memory_space<hbm>>) target(%dma_start3A_61 : memref<128x32xf32, #tpu.memory_space<vmem>>) offsets(%dma_start3A_63 : memref<128xi32, #tpu.memory_space<vmem>>) semaphore(%arg11 : memref<!tpu.dma_semaphore, #tpu.memory_space<semaphore_mem>>)
      %dma_start3A_67 = arith.constant 640 : i32
      %dma_start3A_68 = arith.constant 0 : i32
      %dma_start3A_69 = tpu.memref_slice %arg8[%dma_start3A_67, %dma_start3A_68] : memref<1024x32xf32, #tpu.memory_space<vmem>> -> memref<128x32xf32, #tpu.memory_space<vmem>>
      %dma_start3A_70 = arith.constant 640 : i32
      %dma_start3A_71 = tpu.memref_slice %arg7[%dma_start3A_70] : memref<1024xi32, #tpu.memory_space<vmem>> -> memref<128xi32, #tpu.memory_space<vmem>>
      %dma_start3A_72 = arith.constant 0 : i32
      %dma_start3A_73 = arith.constant 0 : i32
      %dma_start3A_74 = tpu.memref_slice %arg3[%dma_start3A_72, %dma_start3A_73] : memref<999998x32xf32, #tpu.memory_space<hbm>> -> memref<999998x32xf32, #tpu.memory_space<hbm>>
      tpu.enqueue_indirect_dma source(%dma_start3A_74 : memref<999998x32xf32, #tpu.memory_space<hbm>>) target(%dma_start3A_69 : memref<128x32xf32, #tpu.memory_space<vmem>>) offsets(%dma_start3A_71 : memref<128xi32, #tpu.memory_space<vmem>>) semaphore(%arg11 : memref<!tpu.dma_semaphore, #tpu.memory_space<semaphore_mem>>)
      %dma_start3A_75 = arith.constant 768 : i32
      %dma_start3A_76 = arith.constant 0 : i32
      %dma_start3A_77 = tpu.memref_slice %arg8[%dma_start3A_75, %dma_start3A_76] : memref<1024x32xf32, #tpu.memory_space<vmem>> -> memref<128x32xf32, #tpu.memory_space<vmem>>
      %dma_start3A_78 = arith.constant 768 : i32
      %dma_start3A_79 = tpu.memref_slice %arg7[%dma_start3A_78] : memref<1024xi32, #tpu.memory_space<vmem>> -> memref<128xi32, #tpu.memory_space<vmem>>
      %dma_start3A_80 = arith.constant 0 : i32
      %dma_start3A_81 = arith.constant 0 : i32
      %dma_start3A_82 = tpu.memref_slice %arg3[%dma_start3A_80, %dma_start3A_81] : memref<999998x32xf32, #tpu.memory_space<hbm>> -> memref<999998x32xf32, #tpu.memory_space<hbm>>
      tpu.enqueue_indirect_dma source(%dma_start3A_82 : memref<999998x32xf32, #tpu.memory_space<hbm>>) target(%dma_start3A_77 : memref<128x32xf32, #tpu.memory_space<vmem>>) offsets(%dma_start3A_79 : memref<128xi32, #tpu.memory_space<vmem>>) semaphore(%arg11 : memref<!tpu.dma_semaphore, #tpu.memory_space<semaphore_mem>>)
      %dma_start3A_83 = arith.constant 896 : i32
      %dma_start3A_84 = arith.constant 0 : i32
      %dma_start3A_85 = tpu.memref_slice %arg8[%dma_start3A_83, %dma_start3A_84] : memref<1024x32xf32, #tpu.memory_space<vmem>> -> memref<128x32xf32, #tpu.memory_space<vmem>>
      %dma_start3A_86 = arith.constant 896 : i32
      %dma_start3A_87 = tpu.memref_slice %arg7[%dma_start3A_86] : memref<1024xi32, #tpu.memory_space<vmem>> -> memref<128xi32, #tpu.memory_space<vmem>>
      %dma_start3A_88 = arith.constant 0 : i32
      %dma_start3A_89 = arith.constant 0 : i32
      %dma_start3A_90 = tpu.memref_slice %arg3[%dma_start3A_88, %dma_start3A_89] : memref<999998x32xf32, #tpu.memory_space<hbm>> -> memref<999998x32xf32, #tpu.memory_space<hbm>>
      tpu.enqueue_indirect_dma source(%dma_start3A_90 : memref<999998x32xf32, #tpu.memory_space<hbm>>) target(%dma_start3A_85 : memref<128x32xf32, #tpu.memory_space<vmem>>) offsets(%dma_start3A_87 : memref<128xi32, #tpu.memory_space<vmem>>) semaphore(%arg11 : memref<!tpu.dma_semaphore, #tpu.memory_space<semaphore_mem>>)
      %dma_wait3A_91 = arith.constant 0 : i32
      %dma_wait3A_92 = arith.constant 0 : i32
      %dma_wait3A_93 = tpu.memref_slice %arg8[%dma_wait3A_91, %dma_wait3A_92] : memref<1024x32xf32, #tpu.memory_space<vmem>> -> memref<128x32xf32, #tpu.memory_space<vmem>>
      %dma_wait3A_94 = arith.constant 0 : i32
      %dma_wait3A_95 = tpu.memref_slice %arg7[%dma_wait3A_94] : memref<1024xi32, #tpu.memory_space<vmem>> -> memref<128xi32, #tpu.memory_space<vmem>>
      %dma_wait3A_96 = arith.constant 0 : i32
      %dma_wait3A_97 = arith.constant 0 : i32
      %dma_wait3A_98 = tpu.memref_slice %arg3[%dma_wait3A_96, %dma_wait3A_97] : memref<999998x32xf32, #tpu.memory_space<hbm>> -> memref<999998x32xf32, #tpu.memory_space<hbm>>
      tpu.wait_indirect_dma semaphore(%arg11 : memref<!tpu.dma_semaphore, #tpu.memory_space<semaphore_mem>>) src(%dma_wait3A_98 : memref<999998x32xf32, #tpu.memory_space<hbm>>) dst(%dma_wait3A_93 : memref<128x32xf32, #tpu.memory_space<vmem>>)
      %dma_wait3A_99 = arith.constant 128 : i32
      %dma_wait3A_100 = arith.constant 0 : i32
      %dma_wait3A_101 = tpu.memref_slice %arg8[%dma_wait3A_99, %dma_wait3A_100] : memref<1024x32xf32, #tpu.memory_space<vmem>> -> memref<128x32xf32, #tpu.memory_space<vmem>>
      %dma_wait3A_102 = arith.constant 128 : i32
      %dma_wait3A_103 = tpu.memref_slice %arg7[%dma_wait3A_102] : memref<1024xi32, #tpu.memory_space<vmem>> -> memref<128xi32, #tpu.memory_space<vmem>>
      %dma_wait3A_104 = arith.constant 0 : i32
      %dma_wait3A_105 = arith.constant 0 : i32
      %dma_wait3A_106 = tpu.memref_slice %arg3[%dma_wait3A_104, %dma_wait3A_105] : memref<999998x32xf32, #tpu.memory_space<hbm>> -> memref<999998x32xf32, #tpu.memory_space<hbm>>
      tpu.wait_indirect_dma semaphore(%arg11 : memref<!tpu.dma_semaphore, #tpu.memory_space<semaphore_mem>>) src(%dma_wait3A_106 : memref<999998x32xf32, #tpu.memory_space<hbm>>) dst(%dma_wait3A_101 : memref<128x32xf32, #tpu.memory_space<vmem>>)
      %dma_wait3A_107 = arith.constant 256 : i32
      %dma_wait3A_108 = arith.constant 0 : i32
      %dma_wait3A_109 = tpu.memref_slice %arg8[%dma_wait3A_107, %dma_wait3A_108] : memref<1024x32xf32, #tpu.memory_space<vmem>> -> memref<128x32xf32, #tpu.memory_space<vmem>>
      %dma_wait3A_110 = arith.constant 256 : i32
      %dma_wait3A_111 = tpu.memref_slice %arg7[%dma_wait3A_110] : memref<1024xi32, #tpu.memory_space<vmem>> -> memref<128xi32, #tpu.memory_space<vmem>>
      %dma_wait3A_112 = arith.constant 0 : i32
      %dma_wait3A_113 = arith.constant 0 : i32
      %dma_wait3A_114 = tpu.memref_slice %arg3[%dma_wait3A_112, %dma_wait3A_113] : memref<999998x32xf32, #tpu.memory_space<hbm>> -> memref<999998x32xf32, #tpu.memory_space<hbm>>
      tpu.wait_indirect_dma semaphore(%arg11 : memref<!tpu.dma_semaphore, #tpu.memory_space<semaphore_mem>>) src(%dma_wait3A_114 : memref<999998x32xf32, #tpu.memory_space<hbm>>) dst(%dma_wait3A_109 : memref<128x32xf32, #tpu.memory_space<vmem>>)
      %dma_wait3A_115 = arith.constant 384 : i32
      %dma_wait3A_116 = arith.constant 0 : i32
      %dma_wait3A_117 = tpu.memref_slice %arg8[%dma_wait3A_115, %dma_wait3A_116] : memref<1024x32xf32, #tpu.memory_space<vmem>> -> memref<128x32xf32, #tpu.memory_space<vmem>>
      %dma_wait3A_118 = arith.constant 384 : i32
      %dma_wait3A_119 = tpu.memref_slice %arg7[%dma_wait3A_118] : memref<1024xi32, #tpu.memory_space<vmem>> -> memref<128xi32, #tpu.memory_space<vmem>>
      %dma_wait3A_120 = arith.constant 0 : i32
      %dma_wait3A_121 = arith.constant 0 : i32
      %dma_wait3A_122 = tpu.memref_slice %arg3[%dma_wait3A_120, %dma_wait3A_121] : memref<999998x32xf32, #tpu.memory_space<hbm>> -> memref<999998x32xf32, #tpu.memory_space<hbm>>
      tpu.wait_indirect_dma semaphore(%arg11 : memref<!tpu.dma_semaphore, #tpu.memory_space<semaphore_mem>>) src(%dma_wait3A_122 : memref<999998x32xf32, #tpu.memory_space<hbm>>) dst(%dma_wait3A_117 : memref<128x32xf32, #tpu.memory_space<vmem>>)
      %dma_wait3A_123 = arith.constant 512 : i32
      %dma_wait3A_124 = arith.constant 0 : i32
      %dma_wait3A_125 = tpu.memref_slice %arg8[%dma_wait3A_123, %dma_wait3A_124] : memref<1024x32xf32, #tpu.memory_space<vmem>> -> memref<128x32xf32, #tpu.memory_space<vmem>>
      %dma_wait3A_126 = arith.constant 512 : i32
      %dma_wait3A_127 = tpu.memref_slice %arg7[%dma_wait3A_126] : memref<1024xi32, #tpu.memory_space<vmem>> -> memref<128xi32, #tpu.memory_space<vmem>>
      %dma_wait3A_128 = arith.constant 0 : i32
      %dma_wait3A_129 = arith.constant 0 : i32
      %dma_wait3A_130 = tpu.memref_slice %arg3[%dma_wait3A_128, %dma_wait3A_129] : memref<999998x32xf32, #tpu.memory_space<hbm>> -> memref<999998x32xf32, #tpu.memory_space<hbm>>
      tpu.wait_indirect_dma semaphore(%arg11 : memref<!tpu.dma_semaphore, #tpu.memory_space<semaphore_mem>>) src(%dma_wait3A_130 : memref<999998x32xf32, #tpu.memory_space<hbm>>) dst(%dma_wait3A_125 : memref<128x32xf32, #tpu.memory_space<vmem>>)
      %dma_wait3A_131 = arith.constant 640 : i32
      %dma_wait3A_132 = arith.constant 0 : i32
      %dma_wait3A_133 = tpu.memref_slice %arg8[%dma_wait3A_131, %dma_wait3A_132] : memref<1024x32xf32, #tpu.memory_space<vmem>> -> memref<128x32xf32, #tpu.memory_space<vmem>>
      %dma_wait3A_134 = arith.constant 640 : i32
      %dma_wait3A_135 = tpu.memref_slice %arg7[%dma_wait3A_134] : memref<1024xi32, #tpu.memory_space<vmem>> -> memref<128xi32, #tpu.memory_space<vmem>>
      %dma_wait3A_136 = arith.constant 0 : i32
      %dma_wait3A_137 = arith.constant 0 : i32
      %dma_wait3A_138 = tpu.memref_slice %arg3[%dma_wait3A_136, %dma_wait3A_137] : memref<999998x32xf32, #tpu.memory_space<hbm>> -> memref<999998x32xf32, #tpu.memory_space<hbm>>
      tpu.wait_indirect_dma semaphore(%arg11 : memref<!tpu.dma_semaphore, #tpu.memory_space<semaphore_mem>>) src(%dma_wait3A_138 : memref<999998x32xf32, #tpu.memory_space<hbm>>) dst(%dma_wait3A_133 : memref<128x32xf32, #tpu.memory_space<vmem>>)
      %dma_wait3A_139 = arith.constant 768 : i32
      %dma_wait3A_140 = arith.constant 0 : i32
      %dma_wait3A_141 = tpu.memref_slice %arg8[%dma_wait3A_139, %dma_wait3A_140] : memref<1024x32xf32, #tpu.memory_space<vmem>> -> memref<128x32xf32, #tpu.memory_space<vmem>>
      %dma_wait3A_142 = arith.constant 768 : i32
      %dma_wait3A_143 = tpu.memref_slice %arg7[%dma_wait3A_142] : memref<1024xi32, #tpu.memory_space<vmem>> -> memref<128xi32, #tpu.memory_space<vmem>>
      %dma_wait3A_144 = arith.constant 0 : i32
      %dma_wait3A_145 = arith.constant 0 : i32
      %dma_wait3A_146 = tpu.memref_slice %arg3[%dma_wait3A_144, %dma_wait3A_145] : memref<999998x32xf32, #tpu.memory_space<hbm>> -> memref<999998x32xf32, #tpu.memory_space<hbm>>
      tpu.wait_indirect_dma semaphore(%arg11 : memref<!tpu.dma_semaphore, #tpu.memory_space<semaphore_mem>>) src(%dma_wait3A_146 : memref<999998x32xf32, #tpu.memory_space<hbm>>) dst(%dma_wait3A_141 : memref<128x32xf32, #tpu.memory_space<vmem>>)
      %dma_wait3A_147 = arith.constant 896 : i32
      %dma_wait3A_148 = arith.constant 0 : i32
      %dma_wait3A_149 = tpu.memref_slice %arg8[%dma_wait3A_147, %dma_wait3A_148] : memref<1024x32xf32, #tpu.memory_space<vmem>> -> memref<128x32xf32, #tpu.memory_space<vmem>>
      %dma_wait3A_150 = arith.constant 896 : i32
      %dma_wait3A_151 = tpu.memref_slice %arg7[%dma_wait3A_150] : memref<1024xi32, #tpu.memory_space<vmem>> -> memref<128xi32, #tpu.memory_space<vmem>>
      %dma_wait3A_152 = arith.constant 0 : i32
      %dma_wait3A_153 = arith.constant 0 : i32
      %dma_wait3A_154 = tpu.memref_slice %arg3[%dma_wait3A_152, %dma_wait3A_153] : memref<999998x32xf32, #tpu.memory_space<hbm>> -> memref<999998x32xf32, #tpu.memory_space<hbm>>
      tpu.wait_indirect_dma semaphore(%arg11 : memref<!tpu.dma_semaphore, #tpu.memory_space<semaphore_mem>>) src(%dma_wait3A_154 : memref<999998x32xf32, #tpu.memory_space<hbm>>) dst(%dma_wait3A_149 : memref<128x32xf32, #tpu.memory_space<vmem>>)
      %ge3A = arith.constant 999998 : i32
      %ge3A_155 = vector.broadcast %ge3A : i32 to vector<16xi32>
      %ge3A_156 = arith.cmpi sge, %parallel_loop3A_27, %ge3A_155 : vector<16xi32>
      %all_reduce_population_count3A = tpu.all_reduce %ge3A_156 {dim = 0 : i64, kind = #tpu.reduction_kind<sum>} : vector<16xi1> -> vector<16xi32>
      %slice3A = vector.extract_strided_slice %all_reduce_population_count3A {offsets = [0], sizes = [1], strides = [1]} : vector<16xi32> to vector<1xi32>
      %squeeze3A = vector.extract %slice3A[0] : i32 from vector<1xi32>
      %gt3A = arith.constant 0 : i32
      %gt3A_157 = arith.cmpi sgt, %squeeze3A, %gt3A : i32
      %convert_element_type3A = arith.extui %gt3A_157 : i1 to i32
      %cond3A = arith.constant 0 : i32
      %cond3A_158 = arith.cmpi ne, %convert_element_type3A, %cond3A : i32
      scf.if %cond3A_158 {
        %scan3A_181 = arith.constant 0 : i32
        %scan3A_182 = arith.constant 0 : i32
        %scan3A_183 = arith.constant 64 : i32
        %scan3A_184 = arith.addi %scan3A_182, %scan3A_183 : i32
        %scan3A_185 = arith.constant 1 : i32
        scf.for %scan3A_187 = %scan3A_182 to %scan3A_184 step %scan3A_185  : i32 {
          %mul3A_188 = arith.constant 16 : i32
          %mul3A_189 = arith.muli %scan3A_187, %mul3A_188 : i32
          %add3A_190 = vector.broadcast %mul3A_189 : i32 to vector<16xi32>
          %add3A_191 = arith.addi %add3A_190, %iota3A : vector<16xi32>
          %shift_right_arithmetic3A = arith.constant 3 : i32
          %shift_right_arithmetic3A_192 = vector.broadcast %shift_right_arithmetic3A : i32 to vector<16xi32>
          %shift_right_arithmetic3A_193 = arith.shrsi %add3A_191, %shift_right_arithmetic3A_192 : vector<16xi32>
          %and3A = arith.constant 7 : i32
          %and3A_194 = vector.broadcast %and3A : i32 to vector<16xi32>
          %and3A_195 = arith.andi %add3A_191, %and3A_194 : vector<16xi32>
          %gather3A = tpu.vector_load_idx %arg6[%shift_right_arithmetic3A_193, %and3A_195] : memref<128x8xi32, #tpu.memory_space<vmem>>[vector<16xi32>, vector<16xi32>], vector<16xi32>,
          %ge3A_196 = arith.constant 999998 : i32
          %ge3A_197 = vector.broadcast %ge3A_196 : i32 to vector<16xi32>
          %ge3A_198 = arith.cmpi sge, %gather3A, %ge3A_197 : vector<16xi32>
          %all_reduce_population_count3A_199 = tpu.all_reduce %ge3A_198 {dim = 0 : i64, kind = #tpu.reduction_kind<sum>} : vector<16xi1> -> vector<16xi32>
          %slice3A_200 = vector.extract_strided_slice %all_reduce_population_count3A_199 {offsets = [0], sizes = [1], strides = [1]} : vector<16xi32> to vector<1xi32>
          %squeeze3A_201 = vector.extract %slice3A_200[0] : i32 from vector<1xi32>
          %gt3A_202 = arith.constant 0 : i32
          %gt3A_203 = arith.cmpi sgt, %squeeze3A_201, %gt3A_202 : i32
          %convert_element_type3A_204 = arith.extui %gt3A_203 : i1 to i32
          %cond3A_205 = arith.constant 0 : i32
          %cond3A_206 = arith.cmpi ne, %convert_element_type3A_204, %cond3A_205 : i32
          scf.if %cond3A_206 {
            %sub3A = arith.constant 999998 : i32
            %sub3A_207 = vector.broadcast %sub3A : i32 to vector<16xi32>
            %sub3A_208 = arith.subi %gather3A, %sub3A_207 : vector<16xi32>
            %jit3A = arith.constant 0 : i32
            %jit3A_209 = arith.constant 1 : i32
            %max3A = vector.broadcast %jit3A : i32 to vector<16xi32>
            %max3A_210 = arith.maxsi %max3A, %sub3A_208 : vector<16xi32>
            %min3A = vector.broadcast %jit3A_209 : i32 to vector<16xi32>
            %min3A_211 = arith.minsi %min3A, %max3A_210 : vector<16xi32>
            %broadcast_in_dim3A_212 = arith.constant 0 : i32
            %broadcast_in_dim3A_213 = vector.broadcast %broadcast_in_dim3A_212 : i32 to vector<16xi32>
            %gather3A_214 = tpu.vector_load_idx %arg10[%min3A_211, %broadcast_in_dim3A_213] masked %ge3A_198 : memref<2x32xf32, #tpu.memory_space<vmem>>[vector<16xi32>, vector<16xi32>], vector<16xf32>, vector<16xi1>
            tpu.vector_store_idx %arg8[%add3A_191, %broadcast_in_dim3A_213], %gather3A_214 masked %ge3A_198 : memref<1024x32xf32, #tpu.memory_space<vmem>>[vector<16xi32>, vector<16xi32>], vector<16xf32>, vector<16xi1>
            %broadcast_in_dim3A_215 = arith.constant 1 : i32
            %broadcast_in_dim3A_216 = vector.broadcast %broadcast_in_dim3A_215 : i32 to vector<16xi32>
            %gather3A_217 = tpu.vector_load_idx %arg10[%min3A_211, %broadcast_in_dim3A_216] masked %ge3A_198 : memref<2x32xf32, #tpu.memory_space<vmem>>[vector<16xi32>, vector<16xi32>], vector<16xf32>, vector<16xi1>
            tpu.vector_store_idx %arg8[%add3A_191, %broadcast_in_dim3A_216], %gather3A_217 masked %ge3A_198 : memref<1024x32xf32, #tpu.memory_space<vmem>>[vector<16xi32>, vector<16xi32>], vector<16xf32>, vector<16xi1>
            %broadcast_in_dim3A_218 = arith.constant 2 : i32
            %broadcast_in_dim3A_219 = vector.broadcast %broadcast_in_dim3A_218 : i32 to vector<16xi32>
            %gather3A_220 = tpu.vector_load_idx %arg10[%min3A_211, %broadcast_in_dim3A_219] masked %ge3A_198 : memref<2x32xf32, #tpu.memory_space<vmem>>[vector<16xi32>, vector<16xi32>], vector<16xf32>, vector<16xi1>
            tpu.vector_store_idx %arg8[%add3A_191, %broadcast_in_dim3A_219], %gather3A_220 masked %ge3A_198 : memref<1024x32xf32, #tpu.memory_space<vmem>>[vector<16xi32>, vector<16xi32>], vector<16xf32>, vector<16xi1>
            %broadcast_in_dim3A_221 = arith.constant 3 : i32
            %broadcast_in_dim3A_222 = vector.broadcast %broadcast_in_dim3A_221 : i32 to vector<16xi32>
            %gather3A_223 = tpu.vector_load_idx %arg10[%min3A_211, %broadcast_in_dim3A_222] masked %ge3A_198 : memref<2x32xf32, #tpu.memory_space<vmem>>[vector<16xi32>, vector<16xi32>], vector<16xf32>, vector<16xi1>
            tpu.vector_store_idx %arg8[%add3A_191, %broadcast_in_dim3A_222], %gather3A_223 masked %ge3A_198 : memref<1024x32xf32, #tpu.memory_space<vmem>>[vector<16xi32>, vector<16xi32>], vector<16xf32>, vector<16xi1>
            %broadcast_in_dim3A_224 = arith.constant 4 : i32
            %broadcast_in_dim3A_225 = vector.broadcast %broadcast_in_dim3A_224 : i32 to vector<16xi32>
            %gather3A_226 = tpu.vector_load_idx %arg10[%min3A_211, %broadcast_in_dim3A_225] masked %ge3A_198 : memref<2x32xf32, #tpu.memory_space<vmem>>[vector<16xi32>, vector<16xi32>], vector<16xf32>, vector<16xi1>
            tpu.vector_store_idx %arg8[%add3A_191, %broadcast_in_dim3A_225], %gather3A_226 masked %ge3A_198 : memref<1024x32xf32, #tpu.memory_space<vmem>>[vector<16xi32>, vector<16xi32>], vector<16xf32>, vector<16xi1>
            %broadcast_in_dim3A_227 = arith.constant 5 : i32
            %broadcast_in_dim3A_228 = vector.broadcast %broadcast_in_dim3A_227 : i32 to vector<16xi32>
            %gather3A_229 = tpu.vector_load_idx %arg10[%min3A_211, %broadcast_in_dim3A_228] masked %ge3A_198 : memref<2x32xf32, #tpu.memory_space<vmem>>[vector<16xi32>, vector<16xi32>], vector<16xf32>, vector<16xi1>
            tpu.vector_store_idx %arg8[%add3A_191, %broadcast_in_dim3A_228], %gather3A_229 masked %ge3A_198 : memref<1024x32xf32, #tpu.memory_space<vmem>>[vector<16xi32>, vector<16xi32>], vector<16xf32>, vector<16xi1>
            %broadcast_in_dim3A_230 = arith.constant 6 : i32
            %broadcast_in_dim3A_231 = vector.broadcast %broadcast_in_dim3A_230 : i32 to vector<16xi32>
            %gather3A_232 = tpu.vector_load_idx %arg10[%min3A_211, %broadcast_in_dim3A_231] masked %ge3A_198 : memref<2x32xf32, #tpu.memory_space<vmem>>[vector<16xi32>, vector<16xi32>], vector<16xf32>, vector<16xi1>
            tpu.vector_store_idx %arg8[%add3A_191, %broadcast_in_dim3A_231], %gather3A_232 masked %ge3A_198 : memref<1024x32xf32, #tpu.memory_space<vmem>>[vector<16xi32>, vector<16xi32>], vector<16xf32>, vector<16xi1>
            %broadcast_in_dim3A_233 = arith.constant 7 : i32
            %broadcast_in_dim3A_234 = vector.broadcast %broadcast_in_dim3A_233 : i32 to vector<16xi32>
            %gather3A_235 = tpu.vector_load_idx %arg10[%min3A_211, %broadcast_in_dim3A_234] masked %ge3A_198 : memref<2x32xf32, #tpu.memory_space<vmem>>[vector<16xi32>, vector<16xi32>], vector<16xf32>, vector<16xi1>
            tpu.vector_store_idx %arg8[%add3A_191, %broadcast_in_dim3A_234], %gather3A_235 masked %ge3A_198 : memref<1024x32xf32, #tpu.memory_space<vmem>>[vector<16xi32>, vector<16xi32>], vector<16xf32>, vector<16xi1>
            %broadcast_in_dim3A_236 = arith.constant 8 : i32
            %broadcast_in_dim3A_237 = vector.broadcast %broadcast_in_dim3A_236 : i32 to vector<16xi32>
            %gather3A_238 = tpu.vector_load_idx %arg10[%min3A_211, %broadcast_in_dim3A_237] masked %ge3A_198 : memref<2x32xf32, #tpu.memory_space<vmem>>[vector<16xi32>, vector<16xi32>], vector<16xf32>, vector<16xi1>
            tpu.vector_store_idx %arg8[%add3A_191, %broadcast_in_dim3A_237], %gather3A_238 masked %ge3A_198 : memref<1024x32xf32, #tpu.memory_space<vmem>>[vector<16xi32>, vector<16xi32>], vector<16xf32>, vector<16xi1>
            %broadcast_in_dim3A_239 = arith.constant 9 : i32
            %broadcast_in_dim3A_240 = vector.broadcast %broadcast_in_dim3A_239 : i32 to vector<16xi32>
            %gather3A_241 = tpu.vector_load_idx %arg10[%min3A_211, %broadcast_in_dim3A_240] masked %ge3A_198 : memref<2x32xf32, #tpu.memory_space<vmem>>[vector<16xi32>, vector<16xi32>], vector<16xf32>, vector<16xi1>
            tpu.vector_store_idx %arg8[%add3A_191, %broadcast_in_dim3A_240], %gather3A_241 masked %ge3A_198 : memref<1024x32xf32, #tpu.memory_space<vmem>>[vector<16xi32>, vector<16xi32>], vector<16xf32>, vector<16xi1>
            %broadcast_in_dim3A_242 = arith.constant 10 : i32
            %broadcast_in_dim3A_243 = vector.broadcast %broadcast_in_dim3A_242 : i32 to vector<16xi32>
            %gather3A_244 = tpu.vector_load_idx %arg10[%min3A_211, %broadcast_in_dim3A_243] masked %ge3A_198 : memref<2x32xf32, #tpu.memory_space<vmem>>[vector<16xi32>, vector<16xi32>], vector<16xf32>, vector<16xi1>
            tpu.vector_store_idx %arg8[%add3A_191, %broadcast_in_dim3A_243], %gather3A_244 masked %ge3A_198 : memref<1024x32xf32, #tpu.memory_space<vmem>>[vector<16xi32>, vector<16xi32>], vector<16xf32>, vector<16xi1>
            %broadcast_in_dim3A_245 = arith.constant 11 : i32
            %broadcast_in_dim3A_246 = vector.broadcast %broadcast_in_dim3A_245 : i32 to vector<16xi32>
            %gather3A_247 = tpu.vector_load_idx %arg10[%min3A_211, %broadcast_in_dim3A_246] masked %ge3A_198 : memref<2x32xf32, #tpu.memory_space<vmem>>[vector<16xi32>, vector<16xi32>], vector<16xf32>, vector<16xi1>
            tpu.vector_store_idx %arg8[%add3A_191, %broadcast_in_dim3A_246], %gather3A_247 masked %ge3A_198 : memref<1024x32xf32, #tpu.memory_space<vmem>>[vector<16xi32>, vector<16xi32>], vector<16xf32>, vector<16xi1>
            %broadcast_in_dim3A_248 = arith.constant 12 : i32
            %broadcast_in_dim3A_249 = vector.broadcast %broadcast_in_dim3A_248 : i32 to vector<16xi32>
            %gather3A_250 = tpu.vector_load_idx %arg10[%min3A_211, %broadcast_in_dim3A_249] masked %ge3A_198 : memref<2x32xf32, #tpu.memory_space<vmem>>[vector<16xi32>, vector<16xi32>], vector<16xf32>, vector<16xi1>
            tpu.vector_store_idx %arg8[%add3A_191, %broadcast_in_dim3A_249], %gather3A_250 masked %ge3A_198 : memref<1024x32xf32, #tpu.memory_space<vmem>>[vector<16xi32>, vector<16xi32>], vector<16xf32>, vector<16xi1>
            %broadcast_in_dim3A_251 = arith.constant 13 : i32
            %broadcast_in_dim3A_252 = vector.broadcast %broadcast_in_dim3A_251 : i32 to vector<16xi32>
            %gather3A_253 = tpu.vector_load_idx %arg10[%min3A_211, %broadcast_in_dim3A_252] masked %ge3A_198 : memref<2x32xf32, #tpu.memory_space<vmem>>[vector<16xi32>, vector<16xi32>], vector<16xf32>, vector<16xi1>
            tpu.vector_store_idx %arg8[%add3A_191, %broadcast_in_dim3A_252], %gather3A_253 masked %ge3A_198 : memref<1024x32xf32, #tpu.memory_space<vmem>>[vector<16xi32>, vector<16xi32>], vector<16xf32>, vector<16xi1>
            %broadcast_in_dim3A_254 = arith.constant 14 : i32
            %broadcast_in_dim3A_255 = vector.broadcast %broadcast_in_dim3A_254 : i32 to vector<16xi32>
            %gather3A_256 = tpu.vector_load_idx %arg10[%min3A_211, %broadcast_in_dim3A_255] masked %ge3A_198 : memref<2x32xf32, #tpu.memory_space<vmem>>[vector<16xi32>, vector<16xi32>], vector<16xf32>, vector<16xi1>
            tpu.vector_store_idx %arg8[%add3A_191, %broadcast_in_dim3A_255], %gather3A_256 masked %ge3A_198 : memref<1024x32xf32, #tpu.memory_space<vmem>>[vector<16xi32>, vector<16xi32>], vector<16xf32>, vector<16xi1>
            %broadcast_in_dim3A_257 = arith.constant 15 : i32
            %broadcast_in_dim3A_258 = vector.broadcast %broadcast_in_dim3A_257 : i32 to vector<16xi32>
            %gather3A_259 = tpu.vector_load_idx %arg10[%min3A_211, %broadcast_in_dim3A_258] masked %ge3A_198 : memref<2x32xf32, #tpu.memory_space<vmem>>[vector<16xi32>, vector<16xi32>], vector<16xf32>, vector<16xi1>
            tpu.vector_store_idx %arg8[%add3A_191, %broadcast_in_dim3A_258], %gather3A_259 masked %ge3A_198 : memref<1024x32xf32, #tpu.memory_space<vmem>>[vector<16xi32>, vector<16xi32>], vector<16xf32>, vector<16xi1>
            %broadcast_in_dim3A_260 = arith.constant 16 : i32
            %broadcast_in_dim3A_261 = vector.broadcast %broadcast_in_dim3A_260 : i32 to vector<16xi32>
            %gather3A_262 = tpu.vector_load_idx %arg10[%min3A_211, %broadcast_in_dim3A_261] masked %ge3A_198 : memref<2x32xf32, #tpu.memory_space<vmem>>[vector<16xi32>, vector<16xi32>], vector<16xf32>, vector<16xi1>
            tpu.vector_store_idx %arg8[%add3A_191, %broadcast_in_dim3A_261], %gather3A_262 masked %ge3A_198 : memref<1024x32xf32, #tpu.memory_space<vmem>>[vector<16xi32>, vector<16xi32>], vector<16xf32>, vector<16xi1>
            %broadcast_in_dim3A_263 = arith.constant 17 : i32
            %broadcast_in_dim3A_264 = vector.broadcast %broadcast_in_dim3A_263 : i32 to vector<16xi32>
            %gather3A_265 = tpu.vector_load_idx %arg10[%min3A_211, %broadcast_in_dim3A_264] masked %ge3A_198 : memref<2x32xf32, #tpu.memory_space<vmem>>[vector<16xi32>, vector<16xi32>], vector<16xf32>, vector<16xi1>
            tpu.vector_store_idx %arg8[%add3A_191, %broadcast_in_dim3A_264], %gather3A_265 masked %ge3A_198 : memref<1024x32xf32, #tpu.memory_space<vmem>>[vector<16xi32>, vector<16xi32>], vector<16xf32>, vector<16xi1>
            %broadcast_in_dim3A_266 = arith.constant 18 : i32
            %broadcast_in_dim3A_267 = vector.broadcast %broadcast_in_dim3A_266 : i32 to vector<16xi32>
            %gather3A_268 = tpu.vector_load_idx %arg10[%min3A_211, %broadcast_in_dim3A_267] masked %ge3A_198 : memref<2x32xf32, #tpu.memory_space<vmem>>[vector<16xi32>, vector<16xi32>], vector<16xf32>, vector<16xi1>
            tpu.vector_store_idx %arg8[%add3A_191, %broadcast_in_dim3A_267], %gather3A_268 masked %ge3A_198 : memref<1024x32xf32, #tpu.memory_space<vmem>>[vector<16xi32>, vector<16xi32>], vector<16xf32>, vector<16xi1>
            %broadcast_in_dim3A_269 = arith.constant 19 : i32
            %broadcast_in_dim3A_270 = vector.broadcast %broadcast_in_dim3A_269 : i32 to vector<16xi32>
            %gather3A_271 = tpu.vector_load_idx %arg10[%min3A_211, %broadcast_in_dim3A_270] masked %ge3A_198 : memref<2x32xf32, #tpu.memory_space<vmem>>[vector<16xi32>, vector<16xi32>], vector<16xf32>, vector<16xi1>
            tpu.vector_store_idx %arg8[%add3A_191, %broadcast_in_dim3A_270], %gather3A_271 masked %ge3A_198 : memref<1024x32xf32, #tpu.memory_space<vmem>>[vector<16xi32>, vector<16xi32>], vector<16xf32>, vector<16xi1>
            %broadcast_in_dim3A_272 = arith.constant 20 : i32
            %broadcast_in_dim3A_273 = vector.broadcast %broadcast_in_dim3A_272 : i32 to vector<16xi32>
            %gather3A_274 = tpu.vector_load_idx %arg10[%min3A_211, %broadcast_in_dim3A_273] masked %ge3A_198 : memref<2x32xf32, #tpu.memory_space<vmem>>[vector<16xi32>, vector<16xi32>], vector<16xf32>, vector<16xi1>
            tpu.vector_store_idx %arg8[%add3A_191, %broadcast_in_dim3A_273], %gather3A_274 masked %ge3A_198 : memref<1024x32xf32, #tpu.memory_space<vmem>>[vector<16xi32>, vector<16xi32>], vector<16xf32>, vector<16xi1>
            %broadcast_in_dim3A_275 = arith.constant 21 : i32
            %broadcast_in_dim3A_276 = vector.broadcast %broadcast_in_dim3A_275 : i32 to vector<16xi32>
            %gather3A_277 = tpu.vector_load_idx %arg10[%min3A_211, %broadcast_in_dim3A_276] masked %ge3A_198 : memref<2x32xf32, #tpu.memory_space<vmem>>[vector<16xi32>, vector<16xi32>], vector<16xf32>, vector<16xi1>
            tpu.vector_store_idx %arg8[%add3A_191, %broadcast_in_dim3A_276], %gather3A_277 masked %ge3A_198 : memref<1024x32xf32, #tpu.memory_space<vmem>>[vector<16xi32>, vector<16xi32>], vector<16xf32>, vector<16xi1>
            %broadcast_in_dim3A_278 = arith.constant 22 : i32
            %broadcast_in_dim3A_279 = vector.broadcast %broadcast_in_dim3A_278 : i32 to vector<16xi32>
            %gather3A_280 = tpu.vector_load_idx %arg10[%min3A_211, %broadcast_in_dim3A_279] masked %ge3A_198 : memref<2x32xf32, #tpu.memory_space<vmem>>[vector<16xi32>, vector<16xi32>], vector<16xf32>, vector<16xi1>
            tpu.vector_store_idx %arg8[%add3A_191, %broadcast_in_dim3A_279], %gather3A_280 masked %ge3A_198 : memref<1024x32xf32, #tpu.memory_space<vmem>>[vector<16xi32>, vector<16xi32>], vector<16xf32>, vector<16xi1>
            %broadcast_in_dim3A_281 = arith.constant 23 : i32
            %broadcast_in_dim3A_282 = vector.broadcast %broadcast_in_dim3A_281 : i32 to vector<16xi32>
            %gather3A_283 = tpu.vector_load_idx %arg10[%min3A_211, %broadcast_in_dim3A_282] masked %ge3A_198 : memref<2x32xf32, #tpu.memory_space<vmem>>[vector<16xi32>, vector<16xi32>], vector<16xf32>, vector<16xi1>
            tpu.vector_store_idx %arg8[%add3A_191, %broadcast_in_dim3A_282], %gather3A_283 masked %ge3A_198 : memref<1024x32xf32, #tpu.memory_space<vmem>>[vector<16xi32>, vector<16xi32>], vector<16xf32>, vector<16xi1>
            %broadcast_in_dim3A_284 = arith.constant 24 : i32
            %broadcast_in_dim3A_285 = vector.broadcast %broadcast_in_dim3A_284 : i32 to vector<16xi32>
            %gather3A_286 = tpu.vector_load_idx %arg10[%min3A_211, %broadcast_in_dim3A_285] masked %ge3A_198 : memref<2x32xf32, #tpu.memory_space<vmem>>[vector<16xi32>, vector<16xi32>], vector<16xf32>, vector<16xi1>
            tpu.vector_store_idx %arg8[%add3A_191, %broadcast_in_dim3A_285], %gather3A_286 masked %ge3A_198 : memref<1024x32xf32, #tpu.memory_space<vmem>>[vector<16xi32>, vector<16xi32>], vector<16xf32>, vector<16xi1>
            %broadcast_in_dim3A_287 = arith.constant 25 : i32
            %broadcast_in_dim3A_288 = vector.broadcast %broadcast_in_dim3A_287 : i32 to vector<16xi32>
            %gather3A_289 = tpu.vector_load_idx %arg10[%min3A_211, %broadcast_in_dim3A_288] masked %ge3A_198 : memref<2x32xf32, #tpu.memory_space<vmem>>[vector<16xi32>, vector<16xi32>], vector<16xf32>, vector<16xi1>
            tpu.vector_store_idx %arg8[%add3A_191, %broadcast_in_dim3A_288], %gather3A_289 masked %ge3A_198 : memref<1024x32xf32, #tpu.memory_space<vmem>>[vector<16xi32>, vector<16xi32>], vector<16xf32>, vector<16xi1>
            %broadcast_in_dim3A_290 = arith.constant 26 : i32
            %broadcast_in_dim3A_291 = vector.broadcast %broadcast_in_dim3A_290 : i32 to vector<16xi32>
            %gather3A_292 = tpu.vector_load_idx %arg10[%min3A_211, %broadcast_in_dim3A_291] masked %ge3A_198 : memref<2x32xf32, #tpu.memory_space<vmem>>[vector<16xi32>, vector<16xi32>], vector<16xf32>, vector<16xi1>
            tpu.vector_store_idx %arg8[%add3A_191, %broadcast_in_dim3A_291], %gather3A_292 masked %ge3A_198 : memref<1024x32xf32, #tpu.memory_space<vmem>>[vector<16xi32>, vector<16xi32>], vector<16xf32>, vector<16xi1>
            %broadcast_in_dim3A_293 = arith.constant 27 : i32
            %broadcast_in_dim3A_294 = vector.broadcast %broadcast_in_dim3A_293 : i32 to vector<16xi32>
            %gather3A_295 = tpu.vector_load_idx %arg10[%min3A_211, %broadcast_in_dim3A_294] masked %ge3A_198 : memref<2x32xf32, #tpu.memory_space<vmem>>[vector<16xi32>, vector<16xi32>], vector<16xf32>, vector<16xi1>
            tpu.vector_store_idx %arg8[%add3A_191, %broadcast_in_dim3A_294], %gather3A_295 masked %ge3A_198 : memref<1024x32xf32, #tpu.memory_space<vmem>>[vector<16xi32>, vector<16xi32>], vector<16xf32>, vector<16xi1>
            %broadcast_in_dim3A_296 = arith.constant 28 : i32
            %broadcast_in_dim3A_297 = vector.broadcast %broadcast_in_dim3A_296 : i32 to vector<16xi32>
            %gather3A_298 = tpu.vector_load_idx %arg10[%min3A_211, %broadcast_in_dim3A_297] masked %ge3A_198 : memref<2x32xf32, #tpu.memory_space<vmem>>[vector<16xi32>, vector<16xi32>], vector<16xf32>, vector<16xi1>
            tpu.vector_store_idx %arg8[%add3A_191, %broadcast_in_dim3A_297], %gather3A_298 masked %ge3A_198 : memref<1024x32xf32, #tpu.memory_space<vmem>>[vector<16xi32>, vector<16xi32>], vector<16xf32>, vector<16xi1>
            %broadcast_in_dim3A_299 = arith.constant 29 : i32
            %broadcast_in_dim3A_300 = vector.broadcast %broadcast_in_dim3A_299 : i32 to vector<16xi32>
            %gather3A_301 = tpu.vector_load_idx %arg10[%min3A_211, %broadcast_in_dim3A_300] masked %ge3A_198 : memref<2x32xf32, #tpu.memory_space<vmem>>[vector<16xi32>, vector<16xi32>], vector<16xf32>, vector<16xi1>
            tpu.vector_store_idx %arg8[%add3A_191, %broadcast_in_dim3A_300], %gather3A_301 masked %ge3A_198 : memref<1024x32xf32, #tpu.memory_space<vmem>>[vector<16xi32>, vector<16xi32>], vector<16xf32>, vector<16xi1>
            %broadcast_in_dim3A_302 = arith.constant 30 : i32
            %broadcast_in_dim3A_303 = vector.broadcast %broadcast_in_dim3A_302 : i32 to vector<16xi32>
            %gather3A_304 = tpu.vector_load_idx %arg10[%min3A_211, %broadcast_in_dim3A_303] masked %ge3A_198 : memref<2x32xf32, #tpu.memory_space<vmem>>[vector<16xi32>, vector<16xi32>], vector<16xf32>, vector<16xi1>
            tpu.vector_store_idx %arg8[%add3A_191, %broadcast_in_dim3A_303], %gather3A_304 masked %ge3A_198 : memref<1024x32xf32, #tpu.memory_space<vmem>>[vector<16xi32>, vector<16xi32>], vector<16xf32>, vector<16xi1>
            %broadcast_in_dim3A_305 = arith.constant 31 : i32
            %broadcast_in_dim3A_306 = vector.broadcast %broadcast_in_dim3A_305 : i32 to vector<16xi32>
            %gather3A_307 = tpu.vector_load_idx %arg10[%min3A_211, %broadcast_in_dim3A_306] masked %ge3A_198 : memref<2x32xf32, #tpu.memory_space<vmem>>[vector<16xi32>, vector<16xi32>], vector<16xf32>, vector<16xi1>
            tpu.vector_store_idx %arg8[%add3A_191, %broadcast_in_dim3A_306], %gather3A_307 masked %ge3A_198 : memref<1024x32xf32, #tpu.memory_space<vmem>>[vector<16xi32>, vector<16xi32>], vector<16xf32>, vector<16xi1>
          } else {
          }
        }
        %scan3A_186 = arith.constant 64 : i32
      } else {
      }
      %gt3A_159 = arith.constant 0 : i32
      %gt3A_160 = arith.cmpi sgt, %scan3A_21, %gt3A_159 : i32
      %convert_element_type3A_161 = arith.extui %gt3A_160 : i1 to i32
      %cond3A_162 = arith.constant 0 : i32
      %cond3A_163 = arith.cmpi ne, %convert_element_type3A_161, %cond3A_162 : i32
      scf.if %cond3A_163 {
        %mul3A_181 = arith.constant 8 : i32
        %mul3A_182 = arith.muli %scan3A_21, %mul3A_181 : i32
        %dma_wait3A_183 = arith.constant 0 : i32
        %dma_wait3A_184 = arith.constant 0 : i32
        %dma_wait3A_185 = arith.constant 0 : i32
        %dma_wait3A_186 = tpu.memref_slice %arg9[%dma_wait3A_183, %dma_wait3A_184, %dma_wait3A_185] : memref<8x32x129xf32, #tpu.memory_space<vmem>> -> memref<8x32x128xf32, #tpu.memory_space<vmem>>
        %dma_wait3A_187 = arith.constant 0 : i32
        %dma_wait3A_188 = tpu.memref_slice %arg5[%mul3A_182, %dma_wait3A_187, %mul3A_2] : memref<200x32x4096xf32, #tpu.memory_space<hbm>> -> memref<8x32x128xf32, #tpu.memory_space<hbm>>
        %dma_wait3A_189 = arith.constant 0 : i32
        %dma_wait3A_190 = tpu.memref_slice %arg5[%mul3A_182, %dma_wait3A_189, %mul3A_2] : memref<200x32x4096xf32, #tpu.memory_space<hbm>> -> memref<8x32x128xf32, #tpu.memory_space<hbm>>
        %dma_wait3A_191 = arith.constant 0 : i32
        %dma_wait3A_192 = arith.constant 0 : i32
        %dma_wait3A_193 = arith.constant 0 : i32
        %dma_wait3A_194 = tpu.memref_slice %arg9[%dma_wait3A_191, %dma_wait3A_192, %dma_wait3A_193] : memref<8x32x129xf32, #tpu.memory_space<vmem>> -> memref<8x32x128xf32, #tpu.memory_space<vmem>>
        tpu.wait_dma2 semaphore(%arg12 : memref<!tpu.dma_semaphore, #tpu.memory_space<semaphore_mem>>) src(%dma_wait3A_194 : memref<8x32x128xf32, #tpu.memory_space<vmem>>) dst(%dma_wait3A_190 : memref<8x32x128xf32, #tpu.memory_space<hbm>>)
      } else {
      }
      %parallel_loop3A_164 = arith.constant 0 : i32
      %parallel_loop3A_165 = arith.constant 1024 : i32
      %parallel_loop3A_166 = arith.constant 1 : i32
      scf.for %parallel_loop3A_181 = %parallel_loop3A_164 to %parallel_loop3A_165 step %parallel_loop3A_166  : i32 {
        %parallel_loop3A_182 = arith.constant 3 : i32
        %parallel_loop3A_183 = arith.shrsi %parallel_loop3A_181, %parallel_loop3A_182 : i32
        %parallel_loop3A_184 = arith.constant 7 : i32
        %parallel_loop3A_185 = arith.andi %parallel_loop3A_181, %parallel_loop3A_184 : i32
        %parallel_loop3A_186 = vector.broadcast %parallel_loop3A_181 : i32 to vector<16xi32>
        %parallel_loop3A_187 = vector.broadcast %parallel_loop3A_185 : i32 to vector<16xi32>
        %parallel_loop3A_188 = vector.broadcast %parallel_loop3A_183 : i32 to vector<16xi32>
        %parallel_loop3A_189 = tpu.vector_load_idx %arg8[%parallel_loop3A_186, %iota3A] : memref<1024x32xf32, #tpu.memory_space<vmem>>[vector<16xi32>, vector<16xi32>], vector<16xf32>,
        %parallel_loop3A_190 = arith.constant 16 : i32
        %parallel_loop3A_191 = vector.broadcast %parallel_loop3A_190 : i32 to vector<16xi32>
        %parallel_loop3A_192 = arith.addi %parallel_loop3A_191, %iota3A : vector<16xi32>
        %parallel_loop3A_193 = tpu.vector_load_idx %arg8[%parallel_loop3A_186, %parallel_loop3A_192] : memref<1024x32xf32, #tpu.memory_space<vmem>>[vector<16xi32>, vector<16xi32>], vector<16xf32>,
        tpu.vector_store_idx %arg9[%parallel_loop3A_187, %iota3A, %parallel_loop3A_188], %parallel_loop3A_189 : memref<8x32x129xf32, #tpu.memory_space<vmem>>[vector<16xi32>, vector<16xi32>, vector<16xi32>], vector<16xf32>,
        %parallel_loop3A_194 = arith.constant 16 : i32
        %parallel_loop3A_195 = vector.broadcast %parallel_loop3A_194 : i32 to vector<16xi32>
        %parallel_loop3A_196 = arith.addi %parallel_loop3A_195, %iota3A : vector<16xi32>
        tpu.vector_store_idx %arg9[%parallel_loop3A_187, %parallel_loop3A_196, %parallel_loop3A_188], %parallel_loop3A_193 : memref<8x32x129xf32, #tpu.memory_space<vmem>>[vector<16xi32>, vector<16xi32>, vector<16xi32>], vector<16xf32>,
      } {sc.loop_unroll_factor = 16 : i64, sc.parallel_access}
      %mul3A_167 = arith.constant 8 : i32
      %mul3A_168 = arith.muli %scan3A_21, %mul3A_167 : i32
      %dma_start3A_169 = arith.constant 0 : i32
      %dma_start3A_170 = arith.constant 0 : i32
      %dma_start3A_171 = arith.constant 0 : i32
      %dma_start3A_172 = tpu.memref_slice %arg9[%dma_start3A_169, %dma_start3A_170, %dma_start3A_171] : memref<8x32x129xf32, #tpu.memory_space<vmem>> -> memref<8x32x128xf32, #tpu.memory_space<vmem>>
      %dma_start3A_173 = arith.constant 0 : i32
      %dma_start3A_174 = tpu.memref_slice %arg5[%mul3A_168, %dma_start3A_173, %mul3A_2] : memref<200x32x4096xf32, #tpu.memory_space<hbm>> -> memref<8x32x128xf32, #tpu.memory_space<hbm>>
      %dma_start3A_175 = arith.constant 0 : i32
      %dma_start3A_176 = tpu.memref_slice %arg5[%mul3A_168, %dma_start3A_175, %mul3A_2] : memref<200x32x4096xf32, #tpu.memory_space<hbm>> -> memref<8x32x128xf32, #tpu.memory_space<hbm>>
      %dma_start3A_177 = arith.constant 0 : i32
      %dma_start3A_178 = arith.constant 0 : i32
      %dma_start3A_179 = arith.constant 0 : i32
      %dma_start3A_180 = tpu.memref_slice %arg9[%dma_start3A_177, %dma_start3A_178, %dma_start3A_179] : memref<8x32x129xf32, #tpu.memory_space<vmem>> -> memref<8x32x128xf32, #tpu.memory_space<vmem>>
      tpu.enqueue_dma source(%dma_start3A_180 : memref<8x32x128xf32, #tpu.memory_space<vmem>>) target(%dma_start3A_176 : memref<8x32x128xf32, #tpu.memory_space<hbm>>) target_semaphore(%arg12 : memref<!tpu.dma_semaphore, #tpu.memory_space<semaphore_mem>>)
    }
    %scan3A_7 = arith.constant 25 : i32
    %dma_wait3A = arith.constant 0 : i32
    %dma_wait3A_8 = arith.constant 0 : i32
    %dma_wait3A_9 = arith.constant 0 : i32
    %dma_wait3A_10 = tpu.memref_slice %arg9[%dma_wait3A, %dma_wait3A_8, %dma_wait3A_9] : memref<8x32x129xf32, #tpu.memory_space<vmem>> -> memref<8x32x128xf32, #tpu.memory_space<vmem>>
    %dma_wait3A_11 = arith.constant 192 : i32
    %dma_wait3A_12 = arith.constant 0 : i32
    %dma_wait3A_13 = tpu.memref_slice %arg5[%dma_wait3A_11, %dma_wait3A_12, %mul3A_2] : memref<200x32x4096xf32, #tpu.memory_space<hbm>> -> memref<8x32x128xf32, #tpu.memory_space<hbm>>
    %dma_wait3A_14 = arith.constant 192 : i32
    %dma_wait3A_15 = arith.constant 0 : i32
    %dma_wait3A_16 = tpu.memref_slice %arg5[%dma_wait3A_14, %dma_wait3A_15, %mul3A_2] : memref<200x32x4096xf32, #tpu.memory_space<hbm>> -> memref<8x32x128xf32, #tpu.memory_space<hbm>>
    %dma_wait3A_17 = arith.constant 0 : i32
    %dma_wait3A_18 = arith.constant 0 : i32
    %dma_wait3A_19 = arith.constant 0 : i32
    %dma_wait3A_20 = tpu.memref_slice %arg9[%dma_wait3A_17, %dma_wait3A_18, %dma_wait3A_19] : memref<8x32x129xf32, #tpu.memory_space<vmem>> -> memref<8x32x128xf32, #tpu.memory_space<vmem>>
    tpu.wait_dma2 semaphore(%arg12 : memref<!tpu.dma_semaphore, #tpu.memory_space<semaphore_mem>>) src(%dma_wait3A_20 : memref<8x32x128xf32, #tpu.memory_space<vmem>>) dst(%dma_wait3A_16 : memref<8x32x128xf32, #tpu.memory_space<hbm>>)
    return
  }
}

</mosaic_0001>

<sc_bundles>
// kernel: _run.3.cloned.1.call-start
scs
__scs_entry_jumppad:
0x0: {  	(pc) =	sbr.rel $0x88, $3  }
0x1: {  	(tag) =	ssettag $0x0;
	lr =	simm.s32 $0x1  }
0x2: {  	[smem:$0x3F9E] =	sst lr;
	_ =	strace $0xD0000000  }
0x3: {  	_ = 	snop  }
0x4: {  	_ = 	snop  }
0x5: {  	_ = 	snop  }
0x6: {  	_ = 	snop  }
0x7: {  	_ = 	snop  }
__scs_overlays_trampoline_lowered:
0x8: {  	[smem:$0x3FAD] =	sst s0  }
0x9: {  	[smem:$0x3FAE] =	sst s1  }
0xa: {  	[smem:$0x3FAF] =	sst s2  }
0xb: {  	[smem:$0x3FB0] =	sst s3  }
0xc: {  	[smem:$0x3FB1] =	sst s4  }
0xd: {  	[smem:$0x3FB2] =	sst s5  }
0xe: {  	[smem:$0x3FB3] =	sst s6  }
0xf: {  	[smem:$0x3FB4] =	sst s7  }
0x10: {  	[smem:$0x3FB5] =	sst s8  }
0x11: {  	[smem:$0x3FB6] =	sst s9;
	s0 =	simm.s32 @!p0 $0x0  }
0x12: {  	s1 =	sld [smem:$0x3F9C];
	s0 =	simm.s32 @p0 $0x1  }
0x13: {  	[smem:$0x3FB7] =	sst s0;
	s0 =	simm.s32 @!p1 $0x0  }
0x14: {  	s2 =	sld [smem:$0x3F9B];
	s0 =	simm.s32 @p1 $0x1  }
0x15: {  	[smem:$0x3FB8] =	sst s0;
	s0 =	simm.s32 @!p2 $0x0  }
0x16: {  	s3 =	sld [smem:$0x3FDB];
	s0 =	simm.s32 @p2 $0x1  }
0x17: {  	s4 =	simm.s32 $0x1BF5;
	[smem:$0x3FBA] =	sst s0  }
0x18: {  	s0 =	sld [smem:$0x3F9D];
	_ =	swait.ge [sflag:s4], $0x0  }
0x19: {  	s7 =	sld [smem:$0x3F9E]  }
0x1a: {  	s8 =	sadd.s32 $0xFFFFE003, lr  }
0x1b: {  	s9 =	sadd.s32 $0xFFFFFEF7, lr;
	s5 =	simm.s32 $0xFFFFFFFF;
	p2 =	slt.u32 s8, $0xFFFFF086  }
0x1c: {  	p1 =	slt.u32 s9, $0xF7A;
	s5 =	simm.s32 @!p2 $0x0  }
0x1d: {  	s5 =	simm.s32 @p1 $0x1;
	p0 =	seq.s32 s7, s2  }
0x1e: {  	s7 =	smul.u32 @!p0 $0xF7A, s2;
	p2 =	seq.s32 @!p0 s5, $0x0  }
0x1f: {  	s9 =	smul.u32 $0xF7A, s1;
	s8 =	simm.s32 @!p0 $0x1BF5;
	p2 =	por !p2, p0  }
0x20: {  	[sflag:s8] =	ssyncset.s32 @!p0 $0xFFFFF086;
	s6 =	sadd.s32 @!p0 s3, s7;
	s7 =	simm.s32 @!p0 $0x108  }
0x21: {  	s3 =	sadd.s32 s3, s9;
	s6 =	sadd.s32 @!p0 $0x88, s6;
	s7 =	simm.s32 @p2 $0x1082  }
0x22: {  	[simem:s7], [sflag:s8] =	dma.local @!p0 [hbm:s6], $0xF7A  }
0x23: {  	s9 =	sor.u32 $0xD0000000, s2;
	s6 =	simm.s32 $0x108;
	_ =	swait.ge @!p0 [sflag:s8], $0x0  }
0x24: {  	s3 =	sadd.s32 $0x88, s3;
	s6 =	simm.s32 @!p1 $0x1082;
	[sflag:s4] =	ssyncset.s32 $0xFFFFF086  }
0x25: {  	[simem:s6], [sflag:s4] =	dma.local [hbm:s3], $0xF7A  }
0x26: {  	[smem:$0x3F9E] =	sst s1;
	(tag) =	ssettag s2;
	_ =	strace s9  }
0x27: {  	s1 =	sld [smem:$0x3FAE]  }
0x28: {  	s2 =	sld [smem:$0x3FAF]  }
0x29: {  	s4 =	sld [smem:$0x3FB1]  }
0x2a: {  	p0 =	seq.s32 s5, $0x0;
	s5 =	sld [smem:$0x3FB2]  }
0x2b: {  	s6 =	sld [smem:$0x3FB3]  }
0x2c: {  	s7 =	sld [smem:$0x3FB4]  }
0x2d: {  	s3 =	simm.s32 $0x108;
	s8 =	sld [smem:$0x3FB5]  }
0x2e: {  	s3 =	simm.s32 @!p0 $0x1082;
	s9 =	sld [smem:$0x3FB6]  }
0x2f: {  	lr =	sadd.s32 s0, s3;
	s0 =	sld [smem:$0x3FAD]  }
0x30: {  	s3 =	sld [smem:$0x3FB0]  }
0x31: {  	[smem:$0x3FB9] =	sst s10  }
0x32: {  	s10 =	sld [smem:$0x3FB7];
	_ =	sdelay $0x3  }
0x33: {  	p0 =	seq.s32 s10, $0x1;
	s10 =	sld [smem:$0x3FB9];
	_ =	sdelay $0x3  }
0x34: {  	[smem:$0x3FB9] =	sst s10  }
0x35: {  	s10 =	sld [smem:$0x3FB8];
	_ =	sdelay $0x3  }
0x36: {  	p1 =	seq.s32 s10, $0x1;
	s10 =	sld [smem:$0x3FB9];
	_ =	sdelay $0x3  }
0x37: {  	[smem:$0x3FB9] =	sst s10  }
0x38: {  	s10 =	sld [smem:$0x3FBA]  }
0x39: {  	_ = 	snop;
	(pc) =	sbr.ind lr, $3  }
0x3a: {  	_ = 	snop  }
0x3b: {  	_ = 	snop  }
0x3c: {  	p2 =	seq.s32 s10, $0x1;
	s10 =	sld [smem:$0x3FB9]  }
0x3d: {  	_ =	shalt  }
0x3e: {  	_ =	shalt  }
0x3f: {  	_ =	shalt  }
0x40: {  	_ =	shalt  }
0x41: {  	_ =	shalt  }
0x42: {  	_ =	shalt  }
0x43: {  	_ =	shalt  }
0x44: {  	_ =	shalt  }
0x45: {  	_ =	shalt  }
0x46: {  	_ =	shalt  }
0x47: {  	_ =	shalt  }
0x48: {  	_ =	shalt  }
0x49: {  	_ =	shalt  }
0x4a: {  	_ =	shalt  }
0x4b: {  	_ =	shalt  }
0x4c: {  	_ =	shalt  }
0x4d: {  	_ =	shalt  }
0x4e: {  	_ =	shalt  }
0x4f: {  	_ =	shalt  }
0x50: {  	_ =	shalt  }
0x51: {  	_ =	shalt  }
0x52: {  	_ =	shalt  }
0x53: {  	_ =	shalt  }
0x54: {  	_ =	shalt  }
0x55: {  	_ =	shalt  }
0x56: {  	_ =	shalt  }
0x57: {  	_ =	shalt  }
0x58: {  	_ =	shalt  }
0x59: {  	_ =	shalt  }
0x5a: {  	_ =	shalt  }
0x5b: {  	_ =	shalt  }
0x5c: {  	_ =	shalt  }
0x5d: {  	_ =	shalt  }
0x5e: {  	_ =	shalt  }
0x5f: {  	_ =	shalt  }
0x60: {  	_ =	shalt  }
0x61: {  	_ =	shalt  }
0x62: {  	_ =	shalt  }
0x63: {  	_ =	shalt  }
0x64: {  	_ =	shalt  }
0x65: {  	_ =	shalt  }
0x66: {  	_ =	shalt  }
0x67: {  	_ =	shalt  }
0x68: {  	_ =	shalt  }
0x69: {  	_ =	shalt  }
0x6a: {  	_ =	shalt  }
0x6b: {  	_ =	shalt  }
0x6c: {  	_ =	shalt  }
0x6d: {  	_ =	shalt  }
0x6e: {  	_ =	shalt  }
0x6f: {  	_ =	shalt  }
0x70: {  	_ =	shalt  }
0x71: {  	_ =	shalt  }
0x72: {  	_ =	shalt  }
0x73: {  	_ =	shalt  }
0x74: {  	_ =	shalt  }
0x75: {  	_ =	shalt  }
0x76: {  	_ =	shalt  }
0x77: {  	_ =	shalt  }
0x78: {  	_ =	shalt  }
0x79: {  	_ =	shalt  }
0x7a: {  	_ =	shalt  }
0x7b: {  	_ =	shalt  }
0x7c: {  	_ =	shalt  }
0x7d: {  	_ =	shalt  }
0x7e: {  	_ =	shalt  }
0x7f: {  	_ =	shalt  }
0x80: {  	_ =	shalt  }
0x81: {  	_ =	shalt  }
0x82: {  	_ =	shalt  }
0x83: {  	_ =	shalt  }
0x84: {  	_ =	shalt  }
0x85: {  	_ =	shalt  }
0x86: {  	_ =	shalt  }
0x87: {  	_ =	shalt  }
.Lfunc_end0:
.L_simem_size_0:
called_computation_lowered:
.L_overlay_start_0:
0x88: {  	s2 =	sld [smem:$0x3FD9]  }
0x89: {  	s3 =	sld [smem:$0x3FFE];
	_ =	sdelay $0x1  }
0x8a: {  	s1 =	srdreg.scid  }
0x8b: {  	s0 =	sand.u32 $0x1, s1  }
0x8c: {  	s17 =	sshll.u32 s0, $0xA;
	s2 =	sadd.s32 s3, s2  }
0x8d: {  	s2 =	sadd.s32 s2, s17  }
0x8e: {  	[smem:$0x3FC5] =	sst s2  }
0x8f: {  	_ = 	snop  }
0x90: {  	s2 =	sld [smem:$0x3FD0];
	(tm) =	ssettm $0x1  }
0x91: {  	s18 =	sld [smem:$0x3FFB];
	_ =	sdelay $0x3  }
0x92: {  	_ =	strace s18  }
0x93: {  	s3 =	sld [smem:$0x3FFC];
	_ =	sdelay $0x3  }
0x94: {  	_ =	strace s3  }
0x95: {  	s3 =	sld [smem:$0x3FFD];
	_ =	sdelay $0x3  }
0x96: {  	_ =	strace s3  }
0x97: {  	_ =	strace $0x8FFFFFFF  }
0x98: {  	s19 =	sld [smem:$0x3FDB];
	_ =	sdelay $0x1  }
0x99: {  	s4 =	simm.s32 $_scs_section_size  }
0x9a: {  	s5 =	simm.s32 $_size__tile_overlayer_lowered;
	s6 =	simm.s32 $_tile_overlayer_lowered  }
0x9b: {  	s22 =	simm.s32 $0x1BFF;
	s21 =	sshll.u32 s6, $0x1;
	s3 =	sadd.s32 s4, s19  }
0x9c: {  	s7 =	simm.s32 $0x0;
	s20 =	sshll.u32 s5, $0x1;
	s5 =	sadd.s32 s21, s3  }
0x9d: {  	[timem:s7], [sflag:s22] =	dma.local [hbm:s5], s20  }
0x9e: {  	_ =	swait.ge [sflag:s22], s20  }
0x9f: {  	s4 =	ssub.s32 $0x0, s20;
	[sflag:s22] =	ssyncset.done $0x0  }
0xa0: {  	[sflag:s22] =	ssyncadd.s32 s4;
	_ =	sdelay $0x1  }
0xa1: {  	s23 =	simm.s32 $0x1B8B  }
0xa2: {  	_ =	swait.ge [sflag:s23], $0x1  }
0xa3: {  	[sflag:s23] =	ssyncset.done $0x0  }
0xa4: {  	s25 =	simm.s32 $0x1B8E;
	s24 =	sld [smem:$0x3FFE];
	[sflag:s23] =	ssyncadd.s32 $0xFFFFFFFF  }
0xa5: {  	s26 =	simm.s32 $execute0_lowered;
	[smem:$0x3FD2] =	sst s25  }
0xa6: {  	s5 =	sshll.u32 s26, $0x1;
	_ =	strace $0x80000046;
	[dreg:$0x1] =	wrdreg $0xFFFFFFFF  }
0xa7: {  	s28 =	simm.s32 $_size_execute0_lowered;
	s3 =	sadd.s32 s3, s5;
	[dreg:$0x0] =	wrdreg $0x0  }
0xa8: {  	s5 =	sshll.u32 s28, $0x1;
	[dreg:$0x2] =	wrdreg s3  }
0xa9: {  	[dreg:$0x3] =	wrdreg s5  }
0xaa: {  	[dreg:$0x4] =	wrdreg $0xC0  }
0xab: {  	_ =	task [dreg:s7], $0x5FFFF  }
0xac: {  	[dreg:$0x1] =	wrdreg $0xFFFFFFFF  }
0xad: {  	[dreg:$0x0] =	wrdreg $0x60  }
0xae: {  	[dreg:$0x2] =	wrdreg s2  }
0xaf: {  	[dreg:$0x3] =	wrdreg s24  }
0xb0: {  	[dreg:$0x4] =	wrdreg $0x9  }
0xb1: {  	_ =	task.clear_ibuf [dreg:s7], $0x5FFFF;
	_ =	strace $0x90000046  }
0xb2: {  	s29 =	simm.s32 $0x9;
	_ =	strace $0x80000048  }
0xb3: {  	_ =	swait.ge [sflag:s29], $0x1  }
0xb4: {  	[sflag:s29] =	ssyncadd.s32 $0xFFFFFFFF  }
0xb5: {  	_ =	strace $0x90000048  }
0xb6: {  	_ =	sfence  }
0xb7: {  	s30 =	sld [smem:$0x0];
	_ =	sdelay $0x2  }
0xb8: {  	s31 =	sshll.u32 s1, $0xD;
	s1 =	sshrl.u32 s1, $0x2  }
0xb9: {  	s3 =	sand.u32 $0x4000, s31;
	s1 =	sadd.s32 s1, s30  }
0xba: {  	s0 =	sor.u32 s3, s0;
	s1 =	sshll.u32 s1, $0x11  }
0xbb: {  	s0 =	sor.u32 s1, s0  }
0xbc: {  	s0 =	sadd.s32 $0x8F2B, s0  }
0xbd: {  	[sflag:s0] =	ssyncadd.remote.s32 $0x1  }
0xbe: {  	_ =	sfence.sel $0xFFFF  }
0xbf: {  	[dreg:$0x0] =	wrdreg $0xFFFFFFFF;
	(pc) =	sbr.abs _section_cstart, $3  }
0xc0: {  	[dreg:$0x1] =	wrdreg $0xFFFFFFFF  }
0xc1: {  	_ =	task.clear_ibuf [dreg:s7], $0x2FFFF;
	_ =	strace $0x9FFFFFFF  }
0xc2: {  	(tm) =	ssettm $0x7FFFFFFF  }
0xc3: {  	_ =	shalt  }
tec
execute0_lowered:
.L_overlay_start_1:
0x0: {  	(tag) =	ssettag $0x1  }
0x1: {  	s0 =	rddreg [dreg:$0x0]  }
0x2: {  	s1 =	rddreg [dreg:$0x1];
	s3 =	srdreg.scid;
	s2 =	simm.s32 $0x0  }
0x3: {  	s4 =	stileid.u32;
	s9 =	simm.s32 $0x11000;
	s10 =	simm.s32 $0x3  }
0x4: {  	s13 =	simm.s32 $0x80;
	s15 =	simm.s32 $0x800;
	s28 =	simm.s32 $0x6800  }
0x5: {  	v0 =	vlaneseq.u32;
	s29 =	simm.s32 $0x780;
	s30 =	simm.s32 $0x7800;
	s31 =	simm.s32 $0x1  }
0x6: {  	s3 =	sand.u32 $0x1, s3;
	[smem:$0x7FF] =	sst s2;
	s4 =	sshll.u32 s4, $0x8;
	v1 =	vmul.u32 $0x88, v0  }
0x7: {  	v3 =	vimm.s32 $0x0;
	s6 =	sadd.s32 $0x800, s1;
	v2 =	vor.u32 $0xFFFFFFF8, v0;
	v4 =	vor.u32 $0x10, v0;
	s5 =	sshll.u32 s3, $0x7;
	s7 =	ssub.s32 $0x2, s3  }
.Ltmp0:
0x8: {  	s3 =	sor.u32 s5, s4;
	s24 =	sshrl.u32 s7, $0x1;
	v5 =	vadd.s32 $0x880, v1;
	v6 =	vadd.s32 $0x1100, v1;
	v7 =	vadd.s32 $0x1980, v1;
	(pc) =	sbr.rel .LBB2_1-.Ltmp0, $4  }
0x9: {  	_ =	strace $0x80000047;
	v8 =	vadd.s32 $0x2200, v1;
	v9 =	vadd.s32 $0x2A80, v1;
	v10 =	vadd.s32 $0x3300, v1;
	s8 =	smul.u32 $0x19, s3;
	s25 =	ssub.s32 s7, s24  }
0xa: {  	[dreg:$0x3] =	wrdreg s6;
	s6 =	sadd.s32 $0xA00, s1;
	v11 =	vadd.s32 $0x3B80, v1;
	v12 =	vadd.s32 $0x4400, v1;
	v13 =	vadd.s32 $0x4C80, v1;
	s26 =	smax.u32 s25, $0x1  }
0xb: {  	s4 =	sadd.s32 $0xF42C00, s1;
	v14 =	vadd.s32 $0x5500, v1;
	v15 =	vadd.s32 $0x5D80, v1;
	v16 =	vadd.s32 $0x6600, v1;
	s7 =	sadd.s32 s0, s8;
	[dreg:$0x4] =	wrdreg s26  }
0xc: {  	v17 =	vadd.s32 $0x6E80, v1;
	v18 =	vadd.s32 $0x7700, v1;
	v19 =	vadd.s32 $0x7F80, v1;
	s26 =	simm.s32 $0x700;
	s0 =	simm.s32 $0x8800;
	s8 =	simm.s32 $0x0  }
.LBB2_13:
0xd: {  	s5 =	simm.s32 $0x2  }
0xe: {  	_ =	swait.ge [sflag:s5], $0x8000  }
0xf: {  	s8 =	rddreg [dreg:$0x5]  }
0x10: {  	s1 =	rddreg [dreg:$0x4];
	s8 =	sadd.s32 $0x1, s8  }
0x11: {  	p0 =	sne.s32 s8, s1  }
.Ltmp1:
0x12: {  	_ = 	snop;
	(pc) =	sbr.rel @!p0 .LBB2_14-.Ltmp1, $3  }
0x13: {  	_ =	sdelay $0x1  }
0x14: {  	[sflag:s5] =	ssyncset.done $0x0  }
0x15: {  	[sflag:s5] =	ssyncadd.s32 $0xFFFF8000  }
.LBB2_1:
0x16: {  	[dreg:$0x5] =	wrdreg s8  }
0x17: {  	s1 =	rddreg [dreg:$0x3]  }
0x18: {  	[tilespmem:s9], [sflag:$0x3] =	stream.linear.gather [hbm4b:s1+s2], $0x40, $0x38;
	[tilespmem:$0x11040] =	vst v63  }
0x19: {  	_ =	swait.ge [sflag:s10], $0x40  }
0x1a: {  	[sflag:s10] =	ssyncset.done $0x0  }
0x1b: {  	s8 =	simm.s32 $0x0;
	[sflag:s10] =	ssyncadd.s32 $0xFFFFFFC0  }
.LBB2_2:
0x1c: {  	s1 =	sadd.s32 s8, s7;
	s5 =	simm.s32 $0x0  }
0x1d: {  	s11 =	simm.s32 $0x8;
	s12 =	simm.s32 $0xC8;
	s19 =	simm.s32 $0x10;
	v20 =	vor.u32 s5, v0  }
0x1e: {  	[tilespmem:s5], [sflag:$0x3] =	stream.strided.gather [hbm4b:s1+s11], $0x400, s12, s11, $0x38;
	[tilespmem:$0x11040] =	vst v63  }
0x1f: {  	v21 =	vor.u32 s19, v0;
	_ =	swait.ge [sflag:s10], $0x400  }
0x20: {  	s20 =	simm.s32 $0x20;
	[sflag:s10] =	ssyncset.done $0x0  }
0x21: {  	v22 =	vor.u32 s20, v0;
	[sflag:s10] =	ssyncadd.s32 $0xFFFFFC00  }
0x22: {  	s21 =	simm.s32 $0x30;
	v23 =	vld.idx.msk [tilespmem:v20+s2+$0x0], $0xffff  }
0x23: {  	v24 =	vor.u32 s21, v0  }
0x24: {  	s22 =	simm.s32 $0x40;
	v26 =	vld.idx.msk [tilespmem:v21+s2+$0x0], $0xffff  }
0x25: {  	s23 =	simm.s32 $0x50;
	v27 =	vor.u32 s22, v0  }
0x26: {  	v28 =	vor.u32 s23, v0;
	v21 =	vimm.s32 $0x0;
	v20 =	vld.idx.msk [tilespmem:v22+s2+$0x0], $0xffff  }
0x27: {  	s24 =	simm.s32 $0x60;
	vm0 =	vgt.s32 v21, v23  }
0x28: {  	v25 =	vor.u32 s24, v0;
	vm1 =	vlt.s32 v23, $0xF423D;
	v29 =	vsel vm0, v21, v23;
	v21 =	vld.idx.msk [tilespmem:v24+s2+$0x0], $0xffff  }
0x29: {  	s25 =	simm.s32 $0x70;
	s1 =	simm.s32 $0x440;
	v22 =	vnsel vm1, $0xF423D, v23;
	vm0 =	vlt.s32 v26, $0xF423D;
	vm1 =	vgt.s32 v29, v26  }
0x2a: {  	[tilespmem:s1+$0xFFFFFFC0] =	vst v22;
	v22 =	vld.idx.msk [tilespmem:v27+s2+$0x0], $0xffff;
	v23 =	vnsel vm0, $0xF423D, v26;
	v24 =	vsel vm1, v29, v26;
	v26 =	vor.u32 s25, v0  }
0x2b: {  	s5 =	simm.s32 $0x0;
	s11 =	simm.s32 $0x80;
	[tilespmem:s1+$0xFFFFFFD0] =	vst v23;
	vm1 =	vlt.s32 v20, $0xF423D;
	v23 =	vld.idx.msk [tilespmem:v28+s2+$0x0], $0xffff;
	vm0 =	vgt.s32 v24, v20  }
.LBB2_3:
0x2c: {  	v27 =	vor.u32 s11, v0;
	s5 =	sadd.s32 $0x8, s5;
	v28 =	vnsel vm1, $0xF423D, v20;
	v20 =	vsel vm0, v24, v20  }
0x2d: {  	s12 =	sadd.s32 $0x10, s11;
	vm0 =	vlt.s32 v21, $0xF423D;
	p0 =	slt.u32 s5, $0x38;
	[tilespmem:s1+$0xFFFFFFE0] =	vst v28;
	vm1 =	vgt.s32 v20, v21;
	v24 =	vld.idx.msk [tilespmem:v25+s2+$0x0], $0xffff  }
0x2e: {  	v25 =	vor.u32 s12, v0;
	v28 =	vnsel vm0, $0xF423D, v21;
	v20 =	vsel vm1, v20, v21  }
0x2f: {  	s12 =	sadd.s32 $0x20, s11;
	vm0 =	vlt.s32 v22, $0xF423D;
	[tilespmem:s1+$0xFFFFFFF0] =	vst v28;
	vm1 =	vgt.s32 v20, v22;
	v21 =	vld.idx.msk [tilespmem:v26+s2+$0x0], $0xffff  }
0x30: {  	v26 =	vor.u32 s12, v0;
	v28 =	vnsel vm0, $0xF423D, v22;
	v20 =	vsel vm1, v20, v22  }
0x31: {  	s12 =	sadd.s32 $0x30, s11;
	vm0 =	vlt.s32 v23, $0xF423D;
	v22 =	vld.idx.msk [tilespmem:v27+s2+$0x0], $0xffff;
	[tilespmem:s1+$0x0] =	vst v28;
	vm1 =	vgt.s32 v20, v23  }
0x32: {  	v27 =	vor.u32 s12, v0;
	v28 =	vnsel vm0, $0xF423D, v23;
	v20 =	vsel vm1, v20, v23  }
0x33: {  	s12 =	sadd.s32 $0x40, s11;
	vm0 =	vlt.s32 v24, $0xF423D;
	v23 =	vld.idx.msk [tilespmem:v25+s2+$0x0], $0xffff;
	[tilespmem:s1+$0x10] =	vst v28;
	vm1 =	vgt.s32 v20, v24  }
0x34: {  	v28 =	vor.u32 s12, v0;
	v25 =	vnsel vm0, $0xF423D, v24;
	v24 =	vsel vm1, v20, v24  }
0x35: {  	s12 =	sadd.s32 $0x50, s11;
	vm0 =	vlt.s32 v21, $0xF423D;
	v20 =	vld.idx.msk [tilespmem:v26+s2+$0x0], $0xffff;
	[tilespmem:s1+$0x20] =	vst v25;
	vm1 =	vgt.s32 v24, v21  }
0x36: {  	v29 =	vor.u32 s12, v0;
	v25 =	vnsel vm0, $0xF423D, v21;
	v24 =	vsel vm1, v24, v21  }
.Ltmp2:
0x37: {  	s12 =	sadd.s32 $0x60, s11;
	vm0 =	vlt.s32 v22, $0xF423D;
	vm1 =	vgt.s32 v24, v22;
	v21 =	vld.idx.msk [tilespmem:v27+s2+$0x0], $0xffff;
	[tilespmem:s1+$0x30] =	vst v25;
	(pc) =	sbr.rel @p0 .LBB2_3-.Ltmp2, $4  }
0x38: {  	v26 =	vnsel vm0, $0xF423D, v22;
	v25 =	vor.u32 s12, v0;
	s1 =	sadd.s32 $0x80, s1;
	v24 =	vsel vm1, v24, v22  }
0x39: {  	s12 =	sadd.s32 $0x70, s11;
	vm0 =	vlt.s32 v23, $0xF423D;
	[tilespmem:s1+$0xFFFFFFC0] =	vst v26;
	vm1 =	vgt.s32 v24, v23;
	v22 =	vld.idx.msk [tilespmem:v28+s2+$0x0], $0xffff  }
0x3a: {  	v27 =	vnsel vm0, $0xF423D, v23;
	v26 =	vor.u32 s12, v0;
	v24 =	vsel vm1, v24, v23  }
0x3b: {  	s11 =	sadd.s32 $0x80, s11;
	vm1 =	vlt.s32 v20, $0xF423D;
	[tilespmem:s1+$0xFFFFFFD0] =	vst v27;
	vm0 =	vgt.s32 v24, v20;
	v23 =	vld.idx.msk [tilespmem:v29+s2+$0x0], $0xffff  }
0x3c: {  	_ =	sdelay $0x3  }
0x3d: {  	v25 =	vld.idx.msk [tilespmem:v25+s2+$0x0], $0xffff  }
0x3e: {  	v26 =	vld.idx.msk [tilespmem:v26+s2+$0x0], $0xffff  }
0x3f: {  	v27 =	vnsel vm1, $0xF423D, v20;
	vm11 =	vlt.s32 v21, $0xF423D  }
0x40: {  	[tilespmem:s1+$0xFFFFFFE0] =	vst v27;
	v59 =	vnsel vm11, $0xF423D, v21;
	vm12 =	vlt.s32 v22, $0xF423D  }
0x41: {  	[tilespmem:s1+$0xFFFFFFF0] =	vst v59;
	v60 =	vnsel vm12, $0xF423D, v22;
	vm13 =	vlt.s32 v23, $0xF423D  }
0x42: {  	[tilespmem:s1+$0x0] =	vst v60;
	v61 =	vnsel vm13, $0xF423D, v23;
	vm14 =	vlt.s32 v25, $0xF423D  }
0x43: {  	vm15 =	vlt.s32 v26, $0xF423D;
	[tilespmem:s1+$0x10] =	vst v61;
	v62 =	vnsel vm14, $0xF423D, v25  }
0x44: {  	v63 =	vnsel vm15, $0xF423D, v26;
	[tilespmem:s1+$0x20] =	vst v62  }
0x45: {  	s14 =	simm.s32 $0x400;
	[tilespmem:s1+$0x30] =	vst v63  }
0x46: {  	[tilespmem:s15], [sflag:$0x1] =	stream.indirect.gather [hbm4b:s4+s13], $0x20, s14, s13, $0xb8;
	[tilespmem:$0x11040] =	vst v63  }
0x47: {  	s16 =	simm.s32 $0x480;
	s5 =	simm.s32 $0x1800  }
0x48: {  	[tilespmem:s5], [sflag:$0x1] =	stream.indirect.gather [hbm4b:s4+s13], $0x20, s16, s13, $0xb8;
	[tilespmem:$0x11040] =	vst v63  }
0x49: {  	s17 =	simm.s32 $0x500;
	s18 =	simm.s32 $0x2800  }
0x4a: {  	[tilespmem:s18], [sflag:$0x1] =	stream.indirect.gather [hbm4b:s4+s13], $0x20, s17, s13, $0xb8;
	[tilespmem:$0x11040] =	vst v63  }
0x4b: {  	s19 =	simm.s32 $0x580;
	s20 =	simm.s32 $0x3800  }
0x4c: {  	[tilespmem:s20], [sflag:$0x1] =	stream.indirect.gather [hbm4b:s4+s13], $0x20, s19, s13, $0xb8;
	[tilespmem:$0x11040] =	vst v63  }
0x4d: {  	s21 =	simm.s32 $0x600;
	s22 =	simm.s32 $0x4800  }
0x4e: {  	[tilespmem:s22], [sflag:$0x1] =	stream.indirect.gather [hbm4b:s4+s13], $0x20, s21, s13, $0xb8;
	[tilespmem:$0x11040] =	vst v63  }
0x4f: {  	s23 =	simm.s32 $0x680;
	s24 =	simm.s32 $0x5800  }
0x50: {  	[tilespmem:s24], [sflag:$0x1] =	stream.indirect.gather [hbm4b:s4+s13], $0x20, s23, s13, $0xb8;
	[tilespmem:$0x11040] =	vst v63  }
0x51: {  	_ = 	snop  }
0x52: {  	[tilespmem:s28], [sflag:$0x1] =	stream.indirect.gather [hbm4b:s4+s13], $0x20, s26, s13, $0xb8;
	[tilespmem:$0x11040] =	vst v63  }
0x53: {  	_ = 	snop  }
0x54: {  	[tilespmem:s30], [sflag:$0x1] =	stream.indirect.gather [hbm4b:s4+s13], $0x20, s29, s13, $0xb8;
	[tilespmem:$0x11040] =	vst v63  }
0x55: {  	_ =	swait.ge [sflag:s31], $0x1000  }
0x56: {  	[sflag:s31] =	ssyncset.done $0x0  }
0x57: {  	[sflag:s31] =	ssyncadd.s32 $0xFFFFF000  }
0x58: {  	_ =	swait.ge [sflag:s31], $0x1000  }
0x59: {  	[sflag:s31] =	ssyncset.done $0x0  }
0x5a: {  	[sflag:s31] =	ssyncadd.s32 $0xFFFFF000  }
0x5b: {  	_ =	swait.ge [sflag:s31], $0x1000  }
0x5c: {  	[sflag:s31] =	ssyncset.done $0x0  }
0x5d: {  	v20 =	vsel vm0, v24, v20;
	[sflag:s31] =	ssyncadd.s32 $0xFFFFF000  }
0x5e: {  	vm0 =	vgt.s32 v20, v21;
	_ =	swait.ge [sflag:s31], $0x1000  }
0x5f: {  	v20 =	vsel vm0, v20, v21;
	[sflag:s31] =	ssyncset.done $0x0  }
0x60: {  	vm0 =	vgt.s32 v20, v22;
	[sflag:s31] =	ssyncadd.s32 $0xFFFFF000  }
0x61: {  	v20 =	vsel vm0, v20, v22;
	_ =	swait.ge [sflag:s31], $0x1000  }
0x62: {  	vm0 =	vgt.s32 v20, v23;
	[sflag:s31] =	ssyncset.done $0x0  }
0x63: {  	v20 =	vsel vm0, v20, v23;
	[sflag:s31] =	ssyncadd.s32 $0xFFFFF000  }
0x64: {  	vm0 =	vgt.s32 v20, v25;
	_ =	swait.ge [sflag:s31], $0x1000  }
0x65: {  	v20 =	vsel vm0, v20, v25;
	[sflag:s31] =	ssyncset.done $0x0  }
0x66: {  	vm0 =	vgt.s32 v20, v26;
	[sflag:s31] =	ssyncadd.s32 $0xFFFFF000  }
0x67: {  	v20 =	vsel vm0, v20, v26;
	_ =	swait.ge [sflag:s31], $0x1000  }
0x68: {  	vm0 =	vgt.s32 v20, $0xF423D;
	[sflag:s31] =	ssyncset.done $0x0  }
0x69: {  	v20 =	vmpcnt.ones.xlane vm0;
	[sflag:s31] =	ssyncadd.s32 $0xFFFFF000  }
0x6a: {  	_ =	swait.ge [sflag:s31], $0x1000  }
0x6b: {  	(v2sf) =	vpush v20, $0x0;
	_ =	sdelay $0xe  }
0x6c: {  	s25 =	spop (v2sf)  }
0x6d: {  	p0 =	slt.s32 s25, $0x1  }
.Ltmp3:
0x6e: {  	_ = 	snop;
	(pc) =	sbr.rel @!p0 .LBB2_5-.Ltmp3, $3  }
0x6f: {  	_ =	sdelay $0x1  }
0x70: {  	[sflag:s31] =	ssyncset.done $0x0  }
0x71: {  	s1 =	simm.s32 $0x0;
	[sflag:s31] =	ssyncadd.s32 $0xFFFFF000  }
.LBB2_8:
0x72: {  	s1 =	simm.s32 $0x0  }
0x73: {  	p0 =	seq.s32 s8, $0x0;
	v20 =	vor.u32 s1, v0  }
0x74: {  	s12 =	simm.s32 $0x160;
	s11 =	simm.s32 @!p0 $0x2;
	v21 =	vor.u32 s1, v4  }
0x75: {  	s5 =	simm.s32 $0x140;
	v22 =	vor.u32 s12, v0;
	_ =	swait.ge @!p0 [sflag:s11], $0x8000  }
0x76: {  	v24 =	vor.u32 s5, v0;
	[sflag:s11] =	ssyncset.done @!p0 $0x0  }
0x77: {  	s24 =	simm.s32 $0x80;
	v25 =	vor.u32 s12, v4;
	[sflag:s11] =	ssyncadd.s32 @!p0 $0xFFFF8000  }
0x78: {  	s23 =	simm.s32 $0xC0;
	v29 =	vor.u32 s24, v0;
	v26 =	vld.idx.msk [tilespmem:v20+s15+$0x0], $0xffff  }
0x79: {  	s1 =	simm.s32 $0x100;
	v31 =	vor.u32 s23, v0;
	v28 =	vld.idx.msk [tilespmem:v21+s15+$0x0], $0xffff  }
0x7a: {  	s14 =	simm.s32 $0x0;
	v23 =	vor.u32 s1, v4;
	v30 =	vld.idx.msk [tilespmem:v22+s15+$0x0], $0xffff  }
0x7b: {  	s16 =	simm.s32 $0x120;
	v27 =	vor.u32 s23, v4;
	v21 =	vmov s14;
	v36 =	vld.idx.msk [tilespmem:v24+s15+$0x0], $0xffff  }
0x7c: {  	v37 =	vor.u32 s16, v4;
	v25 =	vld.idx.msk [tilespmem:v25+s15+$0x0], $0xffff;
	v22 =	vand.u32 $0x7E, v21  }
0x7d: {  	s18 =	simm.s32 $0x180;
	v53 =	vor.u32 s24, v4;
	v29 =	vld.idx.msk [tilespmem:v29+s15+$0x0], $0xffff;
	v24 =	vadd.s32 v1, v22  }
0x7e: {  	s25 =	simm.s32 $0xE0;
	s17 =	simm.s32 $0x1;
	v39 =	vor.u32 s18, v0;
	v31 =	vld.idx.msk [tilespmem:v31+s15+$0x0], $0xffff;
	v40 =	vadd.s32 v16, v22  }
0x7f: {  	s20 =	simm.s32 $0x1E0;
	v20 =	vld.idx.msk [tilespmem:v23+s15+$0x0], $0xffff;
	v23 =	vor.u32 s25, v0;
	v21 =	vmov s17;
	v43 =	vadd.s32 v12, v22  }
0x80: {  	v51 =	vor.u32 s20, v0;
	v27 =	vld.idx.msk [tilespmem:v27+s15+$0x0], $0xffff;
	v33 =	vadd.s32 v5, v22;
	v21 =	vand.u32 $0x7F, v21  }
0x81: {  	s19 =	simm.s32 $0x1C0;
	v32 =	vor.u32 s25, v4;
	v37 =	vld.idx.msk [tilespmem:v37+s15+$0x0], $0xffff;
	v35 =	vadd.s32 v10, v21  }
0x82: {  	v41 =	vor.u32 s19, v0;
	v59 =	vld.idx.msk [tilespmem:v53+s15+$0x0], $0xffff;
	v44 =	vadd.s32 v13, v22;
	[tilespmem:v24+s0+$0x0] =	vst.idx.msk $0xffff, v26  }
0x83: {  	v34 =	vor.u32 s16, v0;
	v39 =	vld.idx.msk [tilespmem:v39+s15+$0x0], $0xffff;
	s25 =	simm.s32 $0x1A0;
	v38 =	vadd.s32 v11, v21;
	[tilespmem:v40+s0+$0x0] =	vst.idx.msk $0xffff, v31  }
0x84: {  	v42 =	vadd.s32 v18, v22;
	v61 =	vor.u32 s25, v0;
	v23 =	vld.idx.msk [tilespmem:v23+s15+$0x0], $0xffff;
	[tilespmem:v43+s0+$0x0] =	vst.idx.msk $0xffff, v29  }
0x85: {  	s21 =	simm.s32 $0x60;
	v52 =	vor.u32 s19, v4;
	v47 =	vld.idx.msk [tilespmem:v51+s15+$0x0], $0xffff;
	v24 =	vadd.s32 v17, v22;
	[tilespmem:v33+s0+$0x0] =	vst.idx.msk $0xffff, v28  }
0x86: {  	v55 =	vor.u32 s21, v0;
	v26 =	vld.idx.msk [tilespmem:v32+s15+$0x0], $0xffff;
	[tilespmem:v35+s0+$0x0] =	vst.idx.msk $0xffff, v30;
	v30 =	vadd.s32 v19, v22  }
0x87: {  	s23 =	simm.s32 $0x20;
	v50 =	vadd.s32 v8, v21;
	v31 =	vld.idx.msk [tilespmem:v41+s15+$0x0], $0xffff;
	v29 =	vor.u32 s5, v4;
	[tilespmem:v44+s0+$0x0] =	vst.idx.msk $0xffff, v59  }
0x88: {  	v60 =	vor.u32 s23, v0;
	v54 =	vadd.s32 v6, v21;
	v28 =	vld.idx.msk [tilespmem:v34+s15+$0x0], $0xffff;
	[tilespmem:v38+s0+$0x0] =	vst.idx.msk $0xffff, v25  }
0x89: {  	v56 =	vadd.s32 v7, v21;
	v40 =	vld.idx.msk [tilespmem:v61+s15+$0x0], $0xffff;
	v25 =	vor.u32 s18, v4;
	[tilespmem:v42+s0+$0x0] =	vst.idx.msk $0xffff, v23  }
0x8a: {  	s22 =	simm.s32 $0xA0;
	v57 =	vor.u32 s21, v4;
	s24 =	simm.s32 $0x40;
	v33 =	vld.idx.msk [tilespmem:v52+s15+$0x0], $0xffff;
	[tilespmem:v24+s0+$0x0] =	vst.idx.msk $0xffff, v27;
	v27 =	vadd.s32 v12, v21  }
0x8b: {  	v58 =	vor.u32 s22, v0;
	v49 =	vor.u32 s24, v0;
	v35 =	vld.idx.msk [tilespmem:v55+s15+$0x0], $0xffff;
	[tilespmem:v30+s0+$0x0] =	vst.idx.msk $0xffff, v26;
	v30 =	vadd.s32 v16, v21  }
0x8c: {  	v63 =	vor.u32 s23, v4;
	v45 =	vadd.s32 v17, v21;
	v24 =	vor.u32 s20, v4;
	v32 =	vld.idx.msk [tilespmem:v29+s15+$0x0], $0xffff;
	[tilespmem:v50+s0+$0x0] =	vst.idx.msk $0xffff, v36  }
0x8d: {  	v46 =	vadd.s32 v10, v22;
	v51 =	vadd.s32 v18, v21;
	v34 =	vld.idx.msk [tilespmem:v60+s15+$0x0], $0xffff;
	[tilespmem:v54+s0+$0x0] =	vst.idx.msk $0xffff, v28  }
0x8e: {  	v62 =	vadd.s32 v13, v21;
	v41 =	vadd.s32 v6, v22;
	v48 =	vld.idx.msk [tilespmem:v25+s15+$0x0], $0xffff;
	[tilespmem:v56+s0+$0x0] =	vst.idx.msk $0xffff, v37  }
0x8f: {  	v43 =	vadd.s32 v14, v21;
	v38 =	vld.idx.msk [tilespmem:v57+s15+$0x0], $0xffff;
	v42 =	vadd.s32 v11, v22;
	[tilespmem:v27+s0+$0x0] =	vst.idx.msk $0xffff, v39  }
0x90: {  	v44 =	vor.u32 s25, v4;
	v36 =	vadd.s32 v8, v22;
	v25 =	vor.u32 s22, v4;
	v37 =	vld.idx.msk [tilespmem:v58+s15+$0x0], $0xffff;
	[tilespmem:v30+s0+$0x0] =	vst.idx.msk $0xffff, v31  }
0x91: {  	v23 =	vor.u32 s24, v4;
	v28 =	vadd.s32 v14, v22;
	v26 =	vld.idx.msk [tilespmem:v24+s15+$0x0], $0xffff;
	[tilespmem:v45+s0+$0x0] =	vst.idx.msk $0xffff, v33;
	v45 =	vor.u32 s1, v0  }
0x92: {  	v24 =	vadd.s32 v9, v21;
	v27 =	vadd.s32 v9, v22;
	v39 =	vld.idx.msk [tilespmem:v63+s15+$0x0], $0xffff;
	[tilespmem:v51+s0+$0x0] =	vst.idx.msk $0xffff, v47  }
0x93: {  	s5 =	simm.s32 $0x10;
	v31 =	vadd.s32 v15, v22;
	v30 =	vadd.s32 v15, v21;
	[tilespmem:v62+s0+$0x0] =	vst.idx.msk $0xffff, v48;
	v33 =	vld.idx.msk [tilespmem:v49+s15+$0x0], $0xffff;
	s1 =	simm.s32 $0x3  }
.LBB2_9:
0x94: {  	s11 =	sadd.s32 $0xFFFFFFFF, s1  }
0x95: {  	s18 =	sshll.u32 s5, $0x5;
	v47 =	vadd.s32 v7, v22;
	[tilespmem:v46+s0+$0x0] =	vst.idx.msk $0xffff, v35;
	v35 =	vld.idx.msk [tilespmem:v25+s15+$0x0], $0xffff;
	v46 =	vadd.s32 v1, v21;
	s12 =	smov.u32 s5;
	s21 =	sadd.s32 $0x10, s5  }
0x96: {  	v22 =	vmov s11;
	v48 =	vor.u32 s18, v0;
	v49 =	vor.u32 s18, v4;
	s22 =	sadd.s32 $0x40, s18;
	s23 =	sadd.s32 $0xC0, s18;
	s14 =	sadd.s32 $0x160, s18;
	[tilespmem:v42+s0+$0x0] =	vst.idx.msk $0xffff, v38;
	v38 =	vld.idx.msk [tilespmem:v45+s15+$0x0], $0xffff  }
0x97: {  	s12 =	sadd.s32 $0x20, s18;
	s24 =	sadd.s32 $0xA0, s18;
	s11 =	sadd.s32 $0x100, s18;
	v22 =	vand.u32 $0x7E, v22;
	v42 =	vor.u32 s23, v4;
	v45 =	vor.u32 s14, v0;
	[tilespmem:v28+s0+$0x0] =	vst.idx.msk $0xffff, v37;
	v37 =	vld.idx.msk [tilespmem:v44+s15+$0x0], $0xffff  }
0x98: {  	s17 =	sadd.s32 $0x60, s18;
	s25 =	sadd.s32 $0x120, s18;
	s16 =	sadd.s32 $0x140, s18;
	v29 =	vor.u32 s22, v0;
	v25 =	vor.u32 s24, v4;
	v28 =	vor.u32 s11, v4;
	[tilespmem:v41+s0+$0x0] =	vst.idx.msk $0xffff, v34  }
0x99: {  	s19 =	sadd.s32 $0x80, s18;
	s20 =	sadd.s32 $0x1C0, s18;
	v44 =	vor.u32 s14, v4;
	s14 =	sadd.s32 $0x1A0, s18;
	v34 =	vor.u32 s17, v0;
	v41 =	vor.u32 s16, v0;
	[tilespmem:v43+s0+$0x0] =	vst.idx.msk $0xffff, v40  }
0x9a: {  	p0 =	slt.u32 s5, $0x3F0;
	v51 =	vadd.s32 v5, v21;
	v40 =	vor.u32 s19, v0;
	v43 =	vor.u32 s19, v4;
	s19 =	sadd.s32 $0x1E0, s18;
	v50 =	vld.idx.msk [tilespmem:v23+s15+$0x0], $0xffff;
	[tilespmem:v24+s0+$0x0] =	vst.idx.msk $0xffff, v32  }
0x9b: {  	v23 =	vor.u32 s22, v4;
	v32 =	vld.idx.msk [tilespmem:v48+s15+$0x0], $0xffff;
	v48 =	vor.u32 s24, v0;
	[tilespmem:v47+s0+$0x0] =	vst.idx.msk $0xffff, v39;
	v39 =	vadd.s32 v19, v21  }
0x9c: {  	s5 =	sadd.s32 $0xE0, s18;
	v52 =	vor.u32 s23, v0;
	v21 =	vmov s1;
	v47 =	vld.idx.msk [tilespmem:v49+s15+$0x0], $0xffff;
	v49 =	vadd.s32 v1, v22;
	[tilespmem:v36+s0+$0x0] =	vst.idx.msk $0xffff, v33  }
0x9d: {  	v33 =	vadd.s32 v5, v22;
	v36 =	vor.u32 s5, v0;
	v21 =	vand.u32 $0x7F, v21;
	v45 =	vld.idx.msk [tilespmem:v45+s15+$0x0], $0xffff;
	[tilespmem:v46+s0+$0x0] =	vst.idx.msk $0xffff, v38  }
0x9e: {  	v38 =	vor.u32 s5, v4;
	v53 =	vadd.s32 v10, v21;
	v46 =	vld.idx.msk [tilespmem:v28+s15+$0x0], $0xffff;
	[tilespmem:v31+s0+$0x0] =	vst.idx.msk $0xffff, v35  }
0x9f: {  	v24 =	vadd.s32 v9, v21;
	v31 =	vor.u32 s25, v0;
	v54 =	vld.idx.msk [tilespmem:v41+s15+$0x0], $0xffff;
	[tilespmem:v51+s0+$0x0] =	vst.idx.msk $0xffff, v20  }
0xa0: {  	v35 =	vor.u32 s25, v4;
	v41 =	vld.idx.msk [tilespmem:v44+s15+$0x0], $0xffff;
	[tilespmem:v39+s0+$0x0] =	vst.idx.msk $0xffff, v26  }
0xa1: {  	s5 =	sadd.s32 $0x180, s18;
	v28 =	vadd.s32 v14, v22;
	v39 =	vadd.s32 v11, v21;
	v26 =	vld.idx.msk [tilespmem:v42+s15+$0x0], $0xffff;
	[tilespmem:v27+s0+$0x0] =	vst.idx.msk $0xffff, v50  }
0xa2: {  	v44 =	vor.u32 s14, v0;
	[tilespmem:v49+s0+$0x0] =	vst.idx.msk $0xffff, v32;
	v27 =	vld.idx.msk [tilespmem:v40+s15+$0x0], $0xffff;
	v32 =	vadd.s32 v12, v22;
	v40 =	vor.u32 s5, v0  }
0xa3: {  	v50 =	vadd.s32 v18, v22;
	v49 =	vadd.s32 v16, v22;
	v42 =	vld.idx.msk [tilespmem:v52+s15+$0x0], $0xffff;
	[tilespmem:v30+s0+$0x0] =	vst.idx.msk $0xffff, v37  }
0xa4: {  	v20 =	vmov v46;
	[tilespmem:v33+s0+$0x0] =	vst.idx.msk $0xffff, v47;
	v30 =	vld.idx.msk [tilespmem:v36+s15+$0x0], $0xffff;
	v33 =	vor.u32 s20, v0  }
0xa5: {  	v36 =	vadd.s32 v17, v22;
	v37 =	vld.idx.msk [tilespmem:v38+s15+$0x0], $0xffff;
	[tilespmem:v53+s0+$0x0] =	vst.idx.msk $0xffff, v45;
	v38 =	vor.u32 s19, v0  }
0xa6: {  	v46 =	vadd.s32 v6, v21;
	v47 =	vor.u32 s20, v4;
	v45 =	vadd.s32 v19, v22;
	v31 =	vld.idx.msk [tilespmem:v31+s15+$0x0], $0xffff  }
0xa7: {  	v51 =	vld.idx.msk [tilespmem:v35+s15+$0x0], $0xffff;
	[tilespmem:v39+s0+$0x0] =	vst.idx.msk $0xffff, v41  }
0xa8: {  	v39 =	vadd.s32 v7, v21;
	v35 =	vor.u32 s5, v4;
	v40 =	vld.idx.msk [tilespmem:v40+s15+$0x0], $0xffff  }
0xa9: {  	[tilespmem:v49+s0+$0x0] =	vst.idx.msk $0xffff, v42;
	v33 =	vld.idx.msk [tilespmem:v33+s15+$0x0], $0xffff  }
0xaa: {  	[tilespmem:v36+s0+$0x0] =	vst.idx.msk $0xffff, v26;
	v36 =	vadd.s32 v12, v21;
	v49 =	vld.idx.msk [tilespmem:v38+s15+$0x0], $0xffff;
	v26 =	vor.u32 s19, v4  }
0xab: {  	v38 =	vor.u32 s17, v4;
	[tilespmem:v50+s0+$0x0] =	vst.idx.msk $0xffff, v30;
	v30 =	vld.idx.msk [tilespmem:v47+s15+$0x0], $0xffff  }
0xac: {  	v42 =	vadd.s32 v13, v22;
	v41 =	vld.idx.msk [tilespmem:v43+s15+$0x0], $0xffff;
	[tilespmem:v45+s0+$0x0] =	vst.idx.msk $0xffff, v37;
	v43 =	vadd.s32 v16, v21  }
0xad: {  	v45 =	vor.u32 s12, v0;
	[tilespmem:v46+s0+$0x0] =	vst.idx.msk $0xffff, v31;
	v47 =	vld.idx.msk [tilespmem:v35+s15+$0x0], $0xffff;
	v31 =	vadd.s32 v17, v21  }
0xae: {  	v35 =	vld.idx.msk [tilespmem:v34+s15+$0x0], $0xffff;
	[tilespmem:v32+s0+$0x0] =	vst.idx.msk $0xffff, v27;
	v32 =	vor.u32 s16, v4  }
0xaf: {  	[tilespmem:v39+s0+$0x0] =	vst.idx.msk $0xffff, v51;
	v39 =	vadd.s32 v13, v21;
	v26 =	vld.idx.msk [tilespmem:v26+s15+$0x0], $0xffff  }
0xb0: {  	v50 =	vadd.s32 v8, v21;
	v38 =	vld.idx.msk [tilespmem:v38+s15+$0x0], $0xffff;
	[tilespmem:v36+s0+$0x0] =	vst.idx.msk $0xffff, v40  }
0xb1: {  	v36 =	vor.u32 s12, v4;
	v37 =	vld.idx.msk [tilespmem:v48+s15+$0x0], $0xffff;
	[tilespmem:v43+s0+$0x0] =	vst.idx.msk $0xffff, v33;
	v48 =	vadd.s32 v18, v21  }
.Ltmp4:
0xb2: {  	v46 =	vadd.s32 v10, v22;
	v27 =	vadd.s32 v9, v22;
	v34 =	vld.idx.msk [tilespmem:v45+s15+$0x0], $0xffff;
	[tilespmem:v42+s0+$0x0] =	vst.idx.msk $0xffff, v41;
	(pc) =	sbr.rel @p0 .LBB2_9-.Ltmp4, $4  }
0xb3: {  	v42 =	vadd.s32 v11, v22;
	v45 =	vor.u32 s11, v0;
	v32 =	vld.idx.msk [tilespmem:v32+s15+$0x0], $0xffff;
	[tilespmem:v31+s0+$0x0] =	vst.idx.msk $0xffff, v30  }
0xb4: {  	v31 =	vadd.s32 v15, v22;
	[tilespmem:v39+s0+$0x0] =	vst.idx.msk $0xffff, v47;
	v40 =	vld.idx.msk [tilespmem:v44+s15+$0x0], $0xffff;
	v44 =	vor.u32 s14, v4  }
0xb5: {  	v41 =	vadd.s32 v6, v22;
	v30 =	vadd.s32 v15, v21;
	v33 =	vld.idx.msk [tilespmem:v29+s15+$0x0], $0xffff;
	[tilespmem:v50+s0+$0x0] =	vst.idx.msk $0xffff, v54  }
0xb6: {  	s1 =	sadd.s32 $0x2, s1;
	s5 =	smov.u32 s21;
	v43 =	vadd.s32 v14, v21;
	v39 =	vld.idx.msk [tilespmem:v36+s15+$0x0], $0xffff;
	v36 =	vadd.s32 v8, v22;
	[tilespmem:v48+s0+$0x0] =	vst.idx.msk $0xffff, v49  }
0xb7: {  	_ =	sdelay $0x3  }
0xb8: {  	[tilespmem:v46+s0+$0x0] =	vst.idx.msk $0xffff, v35  }
0xb9: {  	v25 =	vld.idx.msk [tilespmem:v25+s15+$0x0], $0xffff;
	[tilespmem:v28+s0+$0x0] =	vst.idx.msk $0xffff, v37  }
0xba: {  	v22 =	vadd.s32 v7, v22;
	[tilespmem:v41+s0+$0x0] =	vst.idx.msk $0xffff, v34  }
0xbb: {  	v29 =	vld.idx.msk [tilespmem:v45+s15+$0x0], $0xffff;
	v60 =	vadd.s32 v1, v21;
	[tilespmem:v42+s0+$0x0] =	vst.idx.msk $0xffff, v38  }
0xbc: {  	[tilespmem:v24+s0+$0x0] =	vst.idx.msk $0xffff, v32  }
0xbd: {  	v61 =	vld.idx.msk [tilespmem:v44+s15+$0x0], $0xffff;
	v63 =	vadd.s32 v19, v21;
	[tilespmem:v43+s0+$0x0] =	vst.idx.msk $0xffff, v40  }
0xbe: {  	v23 =	vld.idx.msk [tilespmem:v23+s15+$0x0], $0xffff;
	[tilespmem:v36+s0+$0x0] =	vst.idx.msk $0xffff, v33  }
0xbf: {  	[tilespmem:v22+s0+$0x0] =	vst.idx.msk $0xffff, v39  }
0xc0: {  	v62 =	vadd.s32 v5, v21;
	[tilespmem:v60+s0+$0x0] =	vst.idx.msk $0xffff, v29  }
0xc1: {  	s1 =	sshll.u32 s8, $0x14;
	[tilespmem:v31+s0+$0x0] =	vst.idx.msk $0xffff, v25  }
0xc2: {  	s1 =	sor.u32 s3, s1;
	[tilespmem:v63+s0+$0x0] =	vst.idx.msk $0xffff, v26  }
0xc3: {  	s1 =	sshrl.u32 s1, $0x3;
	[tilespmem:v27+s0+$0x0] =	vst.idx.msk $0xffff, v23  }
0xc4: {  	s5 =	simm.s32 $0x8800;
	s1 =	sadd.s32 s6, s1;
	[tilespmem:v30+s0+$0x0] =	vst.idx.msk $0xffff, v61  }
0xc5: {  	s11 =	simm.s32 $0x200;
	s12 =	simm.s32 $0x8888;
	s14 =	sadd.s32 $0x0, s1;
	[tilespmem:v62+s0+$0x0] =	vst.idx.msk $0xffff, v20  }
.LBB2_11:
0xc6: {  	[hbm4b:s14+s2] =	stream.linear.scatter [tilespmem:s5], [sflag:$0x2], $0x80, $0x38;
	[tilespmem:$0x11040] =	vst v63  }
0xc7: {  	s14 =	smov.u32 s11;
	s5 =	smov.u32 s12;
	p0 =	sne.s32 s11, $0x1FE00  }
.Ltmp5:
0xc8: {  	s11 =	sadd.s32 $0x200, s11;
	(pc) =	sbr.rel @p0 .LBB2_11-.Ltmp5, $2  }
0xc9: {  	_ =	sdelay $0x2  }
0xca: {  	s12 =	sadd.s32 $0x88, s12;
	s14 =	sadd.s32 s14, s1  }
0xcb: {  	s8 =	sadd.s32 $0x1, s8  }
0xcc: {  	p0 =	sne.s32 s8, $0x19  }
.Ltmp6:
0xcd: {  	_ = 	snop;
	(pc) =	sbr.rel @p0 .LBB2_2-.Ltmp6, $4  }
.Ltmp7:
0xce: {  	_ = 	snop;
	(pc) =	sbr.rel @!p0 .LBB2_13-.Ltmp7, $4  }
0xcf: {  	_ = 	snop  }
0xd0: {  	_ = 	snop  }
0xd1: {  	[hbm4b:s14+s2] =	stream.linear.scatter [tilespmem:s5], [sflag:$0x2], $0x80, $0x38;
	[tilespmem:$0x11040] =	vst v63  }
0xd2: {  	_ = 	snop  }
.LBB2_7:
0xd3: {  	s1 =	sadd.s32 $0x10, s1  }
0xd4: {  	p0 =	sne.s32 s1, $0x400  }
.Ltmp8:
0xd5: {  	_ = 	snop;
	(pc) =	sbr.rel @!p0 .LBB2_8-.Ltmp8, $1  }
0xd6: {  	_ =	sdelay $0x3  }
.LBB2_5:
0xd7: {  	v20 =	vor.u32 s1, v0  }
0xd8: {  	v21 =	vand.u32 v2, v20;
	_ =	sdelay $0x4  }
0xd9: {  	v21 =	vld.idx.msk [tilespmem:v21+s2+$0x0], $0xffff;
	_ =	sdelay $0x4  }
0xda: {  	vm0 =	vgt.s32 v21, $0xF423D  }
0xdb: {  	v22 =	vmpcnt.ones.xlane vm0;
	_ =	sdelay $0x1  }
0xdc: {  	(v2sf) =	vpush v22, $0x0;
	_ =	sdelay $0xe  }
0xdd: {  	s5 =	spop (v2sf)  }
0xde: {  	p0 =	slt.s32 s5, $0x1  }
.Ltmp9:
0xdf: {  	_ = 	snop;
	(pc) =	sbr.rel @p0 .LBB2_7-.Ltmp9, $1  }
0xe0: {  	_ =	sdelay $0x3  }
0xe1: {  	v21 =	vadd.s32 $0xFFF0BDC2, v21  }
0xe2: {  	vm1 =	vgt.s32 v21, $0x0  }
0xe3: {  	v21 =	vsel vm1, $0x20, v3;
	_ =	sdelay $0x4  }
0xe4: {  	v20 =	vshll.u32 v20, $0x5;
	v22 =	vld.idx.msk [tilespmem:v21+s9+$0x0], vm0  }
0xe5: {  	v23 =	vor.u32 $0x1, v21;
	_ =	sdelay $0x3  }
0xe6: {  	[tilespmem:v20+s15+$0x0] =	vst.idx.msk vm0, v22  }
0xe7: {  	v42 =	vor.u32 $0x1, v20;
	v22 =	vld.idx.msk [tilespmem:v23+s9+$0x0], vm0  }
0xe8: {  	v24 =	vor.u32 $0x2, v21;
	_ =	sdelay $0x3  }
0xe9: {  	[tilespmem:v42+s15+$0x0] =	vst.idx.msk vm0, v22  }
0xea: {  	v43 =	vor.u32 $0x2, v20;
	v22 =	vld.idx.msk [tilespmem:v24+s9+$0x0], vm0  }
0xeb: {  	v44 =	vor.u32 $0x3, v21;
	_ =	sdelay $0x3  }
0xec: {  	[tilespmem:v43+s15+$0x0] =	vst.idx.msk vm0, v22  }
0xed: {  	v45 =	vor.u32 $0x3, v20;
	v22 =	vld.idx.msk [tilespmem:v44+s9+$0x0], vm0  }
0xee: {  	v46 =	vor.u32 $0x4, v21;
	_ =	sdelay $0x3  }
0xef: {  	[tilespmem:v45+s15+$0x0] =	vst.idx.msk vm0, v22  }
0xf0: {  	v47 =	vor.u32 $0x4, v20;
	v22 =	vld.idx.msk [tilespmem:v46+s9+$0x0], vm0  }
0xf1: {  	v48 =	vor.u32 $0x5, v21;
	_ =	sdelay $0x3  }
0xf2: {  	[tilespmem:v47+s15+$0x0] =	vst.idx.msk vm0, v22  }
0xf3: {  	v49 =	vor.u32 $0x5, v20;
	v22 =	vld.idx.msk [tilespmem:v48+s9+$0x0], vm0  }
0xf4: {  	v50 =	vor.u32 $0x6, v21;
	_ =	sdelay $0x3  }
0xf5: {  	[tilespmem:v49+s15+$0x0] =	vst.idx.msk vm0, v22  }
0xf6: {  	v51 =	vor.u32 $0x6, v20;
	v22 =	vld.idx.msk [tilespmem:v50+s9+$0x0], vm0  }
0xf7: {  	v52 =	vor.u32 $0x7, v21;
	_ =	sdelay $0x3  }
0xf8: {  	[tilespmem:v51+s15+$0x0] =	vst.idx.msk vm0, v22  }
0xf9: {  	v53 =	vor.u32 $0x7, v20;
	v22 =	vld.idx.msk [tilespmem:v52+s9+$0x0], vm0  }
0xfa: {  	v54 =	vor.u32 $0x8, v21;
	_ =	sdelay $0x3  }
0xfb: {  	[tilespmem:v53+s15+$0x0] =	vst.idx.msk vm0, v22  }
0xfc: {  	v55 =	vor.u32 $0x8, v20;
	v22 =	vld.idx.msk [tilespmem:v54+s9+$0x0], vm0  }
0xfd: {  	v56 =	vor.u32 $0x9, v21;
	_ =	sdelay $0x3  }
0xfe: {  	[tilespmem:v55+s15+$0x0] =	vst.idx.msk vm0, v22  }
0xff: {  	v57 =	vor.u32 $0x9, v20;
	v22 =	vld.idx.msk [tilespmem:v56+s9+$0x0], vm0  }
0x100: {  	v58 =	vor.u32 $0xA, v21;
	_ =	sdelay $0x3  }
0x101: {  	[tilespmem:v57+s15+$0x0] =	vst.idx.msk vm0, v22  }
0x102: {  	v59 =	vor.u32 $0xA, v20;
	v22 =	vld.idx.msk [tilespmem:v58+s9+$0x0], vm0  }
0x103: {  	v60 =	vor.u32 $0xB, v21;
	_ =	sdelay $0x3  }
0x104: {  	[tilespmem:v59+s15+$0x0] =	vst.idx.msk vm0, v22  }
0x105: {  	v61 =	vor.u32 $0xB, v20;
	v22 =	vld.idx.msk [tilespmem:v60+s9+$0x0], vm0  }
0x106: {  	v62 =	vor.u32 $0xC, v21;
	_ =	sdelay $0x3  }
0x107: {  	[tilespmem:v61+s15+$0x0] =	vst.idx.msk vm0, v22  }
0x108: {  	v63 =	vor.u32 $0xC, v20;
	v22 =	vld.idx.msk [tilespmem:v62+s9+$0x0], vm0  }
0x109: {  	v28 =	vor.u32 $0xD, v21;
	_ =	sdelay $0x3  }
0x10a: {  	[tilespmem:v63+s15+$0x0] =	vst.idx.msk vm0, v22  }
0x10b: {  	v29 =	vor.u32 $0xD, v20;
	v22 =	vld.idx.msk [tilespmem:v28+s9+$0x0], vm0  }
0x10c: {  	v30 =	vor.u32 $0xE, v21;
	_ =	sdelay $0x3  }
0x10d: {  	[tilespmem:v29+s15+$0x0] =	vst.idx.msk vm0, v22  }
0x10e: {  	v31 =	vor.u32 $0xE, v20;
	v22 =	vld.idx.msk [tilespmem:v30+s9+$0x0], vm0  }
0x10f: {  	v32 =	vor.u32 $0xF, v21;
	_ =	sdelay $0x3  }
0x110: {  	[tilespmem:v31+s15+$0x0] =	vst.idx.msk vm0, v22  }
0x111: {  	v33 =	vor.u32 $0xF, v20;
	v22 =	vld.idx.msk [tilespmem:v32+s9+$0x0], vm0  }
0x112: {  	v34 =	vor.u32 $0x10, v21;
	_ =	sdelay $0x3  }
0x113: {  	[tilespmem:v33+s15+$0x0] =	vst.idx.msk vm0, v22  }
0x114: {  	v35 =	vor.u32 $0x10, v20;
	v22 =	vld.idx.msk [tilespmem:v34+s9+$0x0], vm0  }
0x115: {  	v36 =	vor.u32 $0x11, v21;
	_ =	sdelay $0x3  }
0x116: {  	[tilespmem:v35+s15+$0x0] =	vst.idx.msk vm0, v22  }
0x117: {  	v37 =	vor.u32 $0x11, v20;
	v22 =	vld.idx.msk [tilespmem:v36+s9+$0x0], vm0  }
0x118: {  	v38 =	vor.u32 $0x12, v21;
	_ =	sdelay $0x3  }
0x119: {  	[tilespmem:v37+s15+$0x0] =	vst.idx.msk vm0, v22  }
0x11a: {  	v39 =	vor.u32 $0x12, v20;
	v22 =	vld.idx.msk [tilespmem:v38+s9+$0x0], vm0  }
0x11b: {  	v40 =	vor.u32 $0x13, v21;
	_ =	sdelay $0x3  }
0x11c: {  	[tilespmem:v39+s15+$0x0] =	vst.idx.msk vm0, v22  }
0x11d: {  	v41 =	vor.u32 $0x13, v20;
	v22 =	vld.idx.msk [tilespmem:v40+s9+$0x0], vm0  }
0x11e: {  	v42 =	vor.u32 $0x14, v21;
	_ =	sdelay $0x3  }
0x11f: {  	[tilespmem:v41+s15+$0x0] =	vst.idx.msk vm0, v22  }
0x120: {  	v43 =	vor.u32 $0x14, v20;
	v22 =	vld.idx.msk [tilespmem:v42+s9+$0x0], vm0  }
0x121: {  	v44 =	vor.u32 $0x15, v21;
	_ =	sdelay $0x3  }
0x122: {  	[tilespmem:v43+s15+$0x0] =	vst.idx.msk vm0, v22  }
0x123: {  	v45 =	vor.u32 $0x15, v20;
	v22 =	vld.idx.msk [tilespmem:v44+s9+$0x0], vm0  }
0x124: {  	v46 =	vor.u32 $0x16, v21;
	_ =	sdelay $0x3  }
0x125: {  	[tilespmem:v45+s15+$0x0] =	vst.idx.msk vm0, v22  }
0x126: {  	v47 =	vor.u32 $0x16, v20;
	v22 =	vld.idx.msk [tilespmem:v46+s9+$0x0], vm0  }
0x127: {  	v48 =	vor.u32 $0x17, v21;
	_ =	sdelay $0x3  }
0x128: {  	[tilespmem:v47+s15+$0x0] =	vst.idx.msk vm0, v22  }
0x129: {  	v49 =	vor.u32 $0x17, v20;
	v22 =	vld.idx.msk [tilespmem:v48+s9+$0x0], vm0  }
0x12a: {  	v50 =	vor.u32 $0x18, v21;
	_ =	sdelay $0x3  }
0x12b: {  	[tilespmem:v49+s15+$0x0] =	vst.idx.msk vm0, v22  }
0x12c: {  	v51 =	vor.u32 $0x18, v20;
	v22 =	vld.idx.msk [tilespmem:v50+s9+$0x0], vm0  }
0x12d: {  	v52 =	vor.u32 $0x19, v21;
	_ =	sdelay $0x3  }
0x12e: {  	[tilespmem:v51+s15+$0x0] =	vst.idx.msk vm0, v22  }
0x12f: {  	v53 =	vor.u32 $0x19, v20;
	v22 =	vld.idx.msk [tilespmem:v52+s9+$0x0], vm0  }
0x130: {  	v54 =	vor.u32 $0x1A, v21;
	_ =	sdelay $0x3  }
0x131: {  	[tilespmem:v53+s15+$0x0] =	vst.idx.msk vm0, v22  }
0x132: {  	v55 =	vor.u32 $0x1A, v20;
	v22 =	vld.idx.msk [tilespmem:v54+s9+$0x0], vm0  }
0x133: {  	v56 =	vor.u32 $0x1B, v21;
	_ =	sdelay $0x3  }
0x134: {  	[tilespmem:v55+s15+$0x0] =	vst.idx.msk vm0, v22  }
0x135: {  	v57 =	vor.u32 $0x1B, v20;
	v22 =	vld.idx.msk [tilespmem:v56+s9+$0x0], vm0  }
0x136: {  	v58 =	vor.u32 $0x1C, v21;
	_ =	sdelay $0x3  }
0x137: {  	[tilespmem:v57+s15+$0x0] =	vst.idx.msk vm0, v22  }
0x138: {  	v59 =	vor.u32 $0x1C, v20;
	v22 =	vld.idx.msk [tilespmem:v58+s9+$0x0], vm0  }
0x139: {  	v60 =	vor.u32 $0x1D, v21;
	_ =	sdelay $0x3  }
0x13a: {  	[tilespmem:v59+s15+$0x0] =	vst.idx.msk vm0, v22  }
0x13b: {  	v61 =	vor.u32 $0x1D, v20;
	v22 =	vld.idx.msk [tilespmem:v60+s9+$0x0], vm0  }
0x13c: {  	v62 =	vor.u32 $0x1E, v21;
	_ =	sdelay $0x3  }
0x13d: {  	[tilespmem:v61+s15+$0x0] =	vst.idx.msk vm0, v22  }
0x13e: {  	v63 =	vor.u32 $0x1E, v20;
	v22 =	vld.idx.msk [tilespmem:v62+s9+$0x0], vm0  }
0x13f: {  	v21 =	vor.u32 $0x1F, v21;
	_ =	sdelay $0x3  }
0x140: {  	[tilespmem:v63+s15+$0x0] =	vst.idx.msk vm0, v22  }
0x141: {  	v20 =	vor.u32 $0x1F, v20;
	v21 =	vld.idx.msk [tilespmem:v21+s9+$0x0], vm0  }
.Ltmp10:
0x142: {  	_ = 	snop;
	(pc) =	sbr.rel .LBB2_7-.Ltmp10, $2  }
0x143: {  	_ =	sdelay $0x2  }
0x144: {  	[tilespmem:v20+s15+$0x0] =	vst.idx.msk vm0, v21  }
.LBB2_14:
0x145: {  	_ =	sfence.sel $0x180000  }
0x146: {  	[bflag:$0x0] =	sbarrier.arrive $0xFFFF  }
0x147: {  	_ =	strace $0x90000047  }
0x148: {  	s0 =	stileid.u32;
	[bflag:$0x2] =	sbarrier.arrive $0xFFFF  }
0x149: {  	p0 =	sne.s32 s0, $0x0;
	s0 =	rddreg [dreg:$0x2]  }
0x14a: {  	s0 =	sadd.s32 @!p0 $0x100000, s0  }
0x14b: {  	[sflag:s0] =	ssyncadd.tile.s32 @!p0 $0x1;
	_ =	shalt  }
.Lfunc_end2:
_tile_overlayer_lowered:
.L_overlay_start_2:
0x14c: {  	(tag) =	ssettag $0x2  }
0x14d: {  	s0 =	rddreg [dreg:$0x0];
	s2 =	stileid.u32  }
0x14e: {  	s1 =	rddreg [dreg:$0x1];
	p0 =	sne.s32 s2, $0x0  }
0x14f: {  	s3 =	rddreg [dreg:$0x2];
	[bflag:$0x3] =	sbarrier.arrive $0xFFFF;
	s2 =	simm.s32 @!p0 $0x1C03  }
0x150: {  	[timem:s3], [sflag:s2] =	dma.local @!p0 [hbm:s0], s1  }
0x151: {  	s0 =	simm.s32 @!p0 $0x3  }
0x152: {  	_ =	swait.ge @!p0 [sflag:s0], s1  }
0x153: {  	s1 =	ssub.s32 @!p0 $0x0, s1;
	[sflag:s0] =	ssyncset.done @!p0 $0x0  }
0x154: {  	[sflag:s0] =	ssyncadd.s32 @!p0 s1  }
0x155: {  	[bflag:$0x3] =	sbarrier.arrive $0xFFFF  }
0x156: {  	_ =	shalt  }

</sc_bundles>
